<compile_context>
chip_gen: v7x
topology: tpu7x:2x2x1
jax: 0.10.2.dev20260603
libtpu: 0.0.44.dev20260713+nightly
codegen_flags: <defaults>
</compile_context>

<pallas_src>
import functools

import jax
import jax.numpy as jnp
from jax import lax
from jax.experimental import pallas as pl
from jax.experimental.pallas import tpu as pltpu
from jax.experimental.pallas import tpu_sc as plsc

BLK = 256
NP = 10240
NC = 2
NS = 16
NW = NC * NS


def _sc_gather_rows(table, idx, ch):
    B = idx.shape[0]
    D = table.shape[1]
    per_w = B // NW
    nch = per_w // ch
    mesh = plsc.VectorSubcoreMesh(core_axis_name="c", subcore_axis_name="s")

    @functools.partial(
        pl.kernel,
        mesh=mesh,
        out_type=jax.ShapeDtypeStruct((B, D), jnp.float32),
        scratch_types=[
            pltpu.VMEM((ch,), jnp.int32),
            pltpu.VMEM((ch, D), jnp.float32),
            pltpu.SemaphoreType.DMA,
        ],
    )
    def gk(table_hbm, idx_hbm, out_hbm, idx_v, rows_v, sem):
        wid = lax.axis_index("s") * NC + lax.axis_index("c")
        base = wid * per_w

        def body(ci, carry):
            off = base + ci * ch
            pltpu.sync_copy(idx_hbm.at[pl.ds(off, ch)], idx_v)
            pltpu.async_copy(table_hbm.at[idx_v], rows_v, sem).wait()
            pltpu.sync_copy(rows_v, out_hbm.at[pl.ds(off, ch)])
            return carry

        lax.fori_loop(0, nch, body, 0)

    return gk(table, idx)


def _sc_pack_gather(feat, src2d, p_pad, t_pad, bstart):
    B = p_pad.shape[0]
    Nn, D = feat.shape
    CH = 128
    per_w = B // NW
    nch = per_w // CH
    mesh = plsc.VectorSubcoreMesh(core_axis_name="c", subcore_axis_name="s")

    @functools.partial(
        pl.kernel,
        mesh=mesh,
        out_type=jax.ShapeDtypeStruct((B, D), jnp.float32),
        scratch_types=[
            pltpu.VMEM((Nn // 16, 16), jnp.int32),
            pltpu.VMEM((CH,), jnp.int32),
            pltpu.VMEM((CH,), jnp.int32),
            pltpu.VMEM((CH,), jnp.int32),
            pltpu.VMEM((CH,), jnp.int32),
            pltpu.VMEM((CH, 16), jnp.int32),
            pltpu.VMEM((CH,), jnp.int32),
            pltpu.VMEM((CH, D), jnp.float32),
            pltpu.SemaphoreType.DMA,
            pltpu.SemaphoreType.DMA,
        ],
    )
    def pk(feat_h, src2d_h, pj_h, tj_h, bstart_h, out_h,
           bstart_v, pj_v, tj_v, row_v, lane_v, stage_v, idx_v, rows_v,
           sem1, sem2):
        wid = lax.axis_index("s") * NC + lax.axis_index("c")
        base = wid * per_w
        pltpu.sync_copy(bstart_h, bstart_v)

        def body(ci, carry):
            off = base + ci * CH
            pltpu.sync_copy(pj_h.at[pl.ds(off, CH)], pj_v)
            pltpu.sync_copy(tj_h.at[pl.ds(off, CH)], tj_v)
            for v in range(CH // 16):
                sl = pl.ds(v * 16, 16)
                p = pj_v[sl]
                b = plsc.load_gather(
                    bstart_v,
                    [lax.div(p, jnp.int32(16)), lax.rem(p, jnp.int32(16))])
                i = b + tj_v[sl]
                row_v[sl] = lax.div(i, jnp.int32(16))
                lane_v[sl] = lax.rem(i, jnp.int32(16))
            pltpu.async_copy(src2d_h.at[row_v], stage_v, sem1).wait()
            for v in range(CH // 16):
                sl = pl.ds(v * 16, 16)
                rows = v * 16 + lax.broadcasted_iota(jnp.int32, (16,), 0)
                idx_v[sl] = plsc.load_gather(stage_v, [rows, lane_v[sl]])
            pltpu.async_copy(feat_h.at[idx_v], rows_v, sem2).wait()
            pltpu.sync_copy(rows_v, out_h.at[pl.ds(off, CH)])
            return carry

        lax.fori_loop(0, nch, body, 0)

    return pk(feat, src2d, p_pad, t_pad, bstart)


def _tc_lstm_body(counts_s, meta_s, x_hbm, wih, whh, bias, wlin,
                  y_ref, h_ref, c_ref, xbuf, sem):
    maxdeg = meta_s[0]
    nfull = NP // BLK

    def zero(b, carry):
        h_ref[pl.ds(b * BLK, BLK), :] = jnp.zeros((BLK, 128), jnp.float32)
        c_ref[pl.ds(b * BLK, BLK), :] = jnp.zeros((BLK, 128), jnp.float32)
        return carry

    lax.fori_loop(0, nfull, zero, 0)

    def dma(off, b):
        return pltpu.make_async_copy(
            x_hbm.at[pl.ds(off + b * BLK, BLK)],
            xbuf.at[pl.ds(b * BLK, BLK)],
            sem,
        )

    def step(carry):
        t, q, off = carry
        q = lax.while_loop(
            lambda qq: jnp.logical_and(qq > 0, counts_s[qq - 1] <= t),
            lambda qq: qq - 1,
            q,
        )
        n = q
        nblk = lax.div(n + (BLK - 1), BLK)

        def fire(b, carry2):
            dma(off, b).start()
            return carry2

        lax.fori_loop(0, nblk, fire, 0)

        def compute(b, carry2):
            dma(off, b).wait()
            sl = pl.ds(b * BLK, BLK)
            x = xbuf[sl, :]
            hp = h_ref[sl, :]
            cp = c_ref[sl, :]
            gates = (
                jnp.dot(x, wih[...], preferred_element_type=jnp.float32)
                + jnp.dot(hp, whh[...], preferred_element_type=jnp.float32)
                + bias[...]
            )
            i_g = jax.nn.sigmoid(gates[:, 0:128])
            f_g = jax.nn.sigmoid(gates[:, 128:256])
            g_g = jnp.tanh(gates[:, 256:384])
            o_g = jax.nn.sigmoid(gates[:, 384:512])
            c_new = f_g * cp + i_g * g_g
            h_new = o_g * jnp.tanh(c_new)
            row = b * BLK + lax.broadcasted_iota(jnp.int32, (BLK, 128), 0)
            m = row < n
            h_ref[sl, :] = jnp.where(m, h_new, hp)
            c_ref[sl, :] = jnp.where(m, c_new, cp)
            return carry2

        lax.fori_loop(0, nblk, compute, 0)
        return t + 1, q, off + n

    lax.while_loop(
        lambda c: c[0] < maxdeg,
        step,
        (jnp.int32(0), jnp.int32(NP), jnp.int32(0)),
    )

    def fin(b, carry):
        sl = pl.ds(b * BLK, BLK)
        y_ref[sl, :] = jnp.dot(
            h_ref[sl, :], wlin[...], preferred_element_type=jnp.float32
        )
        return carry

    lax.fori_loop(0, nfull, fin, 0)


def kernel(feat, edge_index, in_norm, out_norm, W_lin, b_lin, W_ih, W_hh,
           b_ih, b_hh):
    N, D = feat.shape
    E = edge_index.shape[1]
    E_pad = 163840

    src = edge_index[0]
    dst = edge_index[1]

    counts = jnp.bincount(dst, length=N).astype(jnp.int32)
    cdst = counts[dst]
    key1 = (E - cdst).astype(jnp.uint32) * jnp.uint32(16384) \
        + dst.astype(jnp.uint32)
    _, src_s = lax.sort((key1, src), num_keys=1, is_stable=True)
    hist = jnp.bincount(counts, length=E + 1)
    n_t = (N - jnp.cumsum(hist)).astype(jnp.int32)
    off_t = jnp.concatenate(
        [jnp.zeros((1,), jnp.int32), jnp.cumsum(n_t).astype(jnp.int32)])
    bnd = jnp.zeros((E,), jnp.int32).at[off_t].add(1, mode='drop')
    jj = jnp.arange(E, dtype=jnp.int32)
    t_j = jnp.cumsum(bnd).astype(jnp.int32) - 1
    p_j = jj - lax.cummax(jj * bnd, axis=0)
    t_pad = jnp.concatenate([t_j, jnp.zeros((E_pad - E,), jnp.int32)])
    p_pad = jnp.concatenate([p_j, jnp.zeros((E_pad - E,), jnp.int32)])
    counts_sorted = -jnp.sort(-counts)
    bstart = (jnp.cumsum(counts_sorted) - counts_sorted).astype(jnp.int32)
    nkey = (E - counts).astype(jnp.uint32) * jnp.uint32(16384) \
        + jnp.arange(N, dtype=jnp.uint32)
    _, perm = lax.sort((nkey, jnp.arange(N, dtype=jnp.int32)), num_keys=1)
    prank = jnp.zeros((N,), jnp.int32).at[perm].set(
        jnp.arange(N, dtype=jnp.int32))
    maxdeg = counts_sorted[0]

    counts_pad = jnp.concatenate(
        [counts_sorted, jnp.zeros((NP - N,), jnp.int32)])
    meta = jnp.reshape(maxdeg, (1,)).astype(jnp.int32)

    h_all = feat * jnp.reciprocal(out_norm)[:, None]
    i_of_j = bstart[p_pad] + t_pad
    gsrc = src_s[i_of_j]
    xpacked = _sc_gather_rows(h_all, gsrc, ch=128)

    bias = jnp.reshape(b_ih + b_hh, (1, 4 * D))
    y_perm = pl.pallas_call(
        _tc_lstm_body,
        out_shape=jax.ShapeDtypeStruct((NP, D), jnp.float32),
        in_specs=[
            pl.BlockSpec(memory_space=pltpu.SMEM),
            pl.BlockSpec(memory_space=pltpu.SMEM),
            pl.BlockSpec(memory_space=pl.ANY),
            pl.BlockSpec(memory_space=pltpu.VMEM),
            pl.BlockSpec(memory_space=pltpu.VMEM),
            pl.BlockSpec(memory_space=pltpu.VMEM),
            pl.BlockSpec(memory_space=pltpu.VMEM),
        ],
        out_specs=pl.BlockSpec(memory_space=pltpu.VMEM),
        scratch_shapes=[
            pltpu.VMEM((NP, D), jnp.float32),
            pltpu.VMEM((NP, D), jnp.float32),
            pltpu.VMEM((NP, D), jnp.float32),
            pltpu.SemaphoreType.DMA,
        ],
    )(counts_pad, meta, xpacked, W_ih.T, W_hh.T, bias, W_lin.T)

    g2 = jnp.concatenate([prank, jnp.zeros((NP - N,), jnp.int32)])
    y_rows = _sc_gather_rows(y_perm, g2, ch=80)

    out = y_rows[:N] * jnp.reciprocal(in_norm)[:, None] + b_lin[None, :]
    return out

# --- scband reference (transcript-rebuilt; emitter-appended) ---
"""Pipeline reference for scband-gcnlayer-lstm-22565758173854 (READ-ONLY COPY).

The authoritative reference and input builder live on the scoring server;
editing this copy changes nothing except your own understanding.
"""

import jax, jax.numpy as jnp
import numpy as np

N = 10000
E = 160000
D = 128

def setup_inputs(seed: int = 0):
    key = jax.random.key(seed)
    ks = jax.random.split(key, 8)
    stdv = 1.0 / np.sqrt(D)
    feat = jax.random.normal(ks[0], (N, D), dtype=jnp.float32)
    edge_index = jax.random.randint(ks[1], (2, E), 0, N, dtype=jnp.int32)
    in_norm = jnp.ones((N,), dtype=jnp.float32)
    out_norm = jnp.ones((N,), dtype=jnp.float32)
    W_lin = jax.random.uniform(ks[2], (D, D), minval=-stdv, maxval=stdv, dtype=jnp.float32)
    b_lin = jax.random.uniform(ks[3], (D,), minval=-stdv, maxval=stdv, dtype=jnp.float32)
    W_ih = jax.random.uniform(ks[4], (4 * D, D), minval=-stdv, maxval=stdv, dtype=jnp.float32)
    W_hh = jax.random.uniform(ks[5], (4 * D, D), minval=-stdv, maxval=stdv, dtype=jnp.float32)
    b_ih = jax.random.uniform(ks[6], (4 * D,), minval=-stdv, maxval=stdv, dtype=jnp.float32)
    b_hh = jax.random.uniform(ks[7], (4 * D,), minval=-stdv, maxval=stdv, dtype=jnp.float32)
    return {"feat": feat, "edge_index": edge_index, "in_norm": in_norm, "out_norm": out_norm,
            "W_lin": W_lin, "b_lin": b_lin, "W_ih": W_ih, "W_hh": W_hh, "b_ih": b_ih, "b_hh": b_hh}

def _lstm_last_hidden(m_sorted, starts, counts, max_deg, W_ih, W_hh, b_ih, b_hh):
    # PyTorch LSTM cell math, gate order (i, f, g, o); returns final hidden state
    Nn = counts.shape[0]
    Ee = m_sorted.shape[0]
    def cond(state):
        t, h, c = state
        return t < max_deg
    def body(state):
        t, h, c = state
        valid = t < counts
        idx = jnp.clip(starts + t, 0, Ee - 1)
        x_t = jnp.where(valid[:, None], m_sorted[idx], 0.0)
        gates = x_t @ W_ih.T + b_ih + h @ W_hh.T + b_hh
        i_g, f_g, g_g, o_g = jnp.split(gates, 4, axis=-1)
        i_g = jax.nn.sigmoid(i_g)
        f_g = jax.nn.sigmoid(f_g)
        g_g = jnp.tanh(g_g)
        o_g = jax.nn.sigmoid(o_g)
        c_new = f_g * c + i_g * g_g
        h_new = o_g * jnp.tanh(c_new)
        v = valid[:, None]
        return (t + 1, jnp.where(v, h_new, h), jnp.where(v, c_new, c))
    h0 = jnp.zeros((Nn, D), dtype=jnp.float32)
    c0 = jnp.zeros((Nn, D), dtype=jnp.float32)
    _, h_fin, _ = jax.lax.while_loop(cond, body, (jnp.int32(0), h0, c0))
    return h_fin

def reference(feat, edge_index, in_norm, out_norm, W_lin, b_lin, W_ih, W_hh, b_ih, b_hh):
    # training / use_pp=False path of GCNLayer_lstm:
    #   h = feat / out_norm; messages m[e] = h[src[e]];
    #   per-dst-node LSTM over its mailbox (edge order); rst = last hidden state;
    #   out = Linear(rst / in_norm)
    src, dst = edge_index[0], edge_index[1]
    order = jnp.argsort(dst)  # stable sort preserves edge order within each dst bucket
    src_s = src[order]
    dst_s = dst[order]
    counts = jnp.bincount(dst, length=N)
    starts = jnp.cumsum(counts) - counts
    max_deg = jnp.max(counts)
    h_all = feat / out_norm[:, None]
    m = h_all[src_s]  # gather messages [E, D]
    rst = _lstm_last_hidden(m, starts, counts, max_deg, W_ih, W_hh, b_ih, b_hh)
    out = (rst / in_norm[:, None]) @ W_lin.T + b_lin
    return out

if __name__ == "__main__":
    import jax
    _d = setup_inputs()
    print(jax.jit(kernel)(*tuple(_d.values())))

</pallas_src>

<mosaic_0001>
#map = affine_map<(d0, d1) -> (0, 0)>
#map1 = affine_map<(d0, d1) -> (0)>
module attributes {stable_mosaic.version = 14 : i64} {
  func.func @gk(%arg0: i32, %arg1: i32, %arg2: memref<10000x128xf32, #tpu.memory_space<hbm>>, %arg3: memref<163840xi32, #tpu.memory_space<hbm>>, %arg4: memref<163840x128xf32, #tpu.memory_space<hbm>>, %arg5: memref<128xi32, #tpu.memory_space<vmem>>, %arg6: memref<128x128xf32, #tpu.memory_space<vmem>>, %arg7: memref<!tpu.dma_semaphore, #tpu.memory_space<semaphore_mem>>) attributes {dimension_semantics = [#tpu.dimension_semantics<core_parallel>, #tpu.dimension_semantics<subcore_parallel>], iteration_bounds = array<i64: 2, 16>, scalar_prefetch = 0 : i64, scratch_operands = 3 : i64, tpu.core_type = #tpu.core_type<sc_vector_subcore>, window_params = [{transform_indices = #map}, {transform_indices = #map1}, {transform_indices = #map}]} {
    %mul3A = arith.constant 2 : i32
    %mul3A_0 = arith.muli %arg1, %mul3A : i32
    %add3A = arith.addi %mul3A_0, %arg0 : i32
    %mul3A_1 = arith.constant 5120 : i32
    %mul3A_2 = arith.muli %add3A, %mul3A_1 : i32
    %scan3A = arith.constant 0 : i32
    %scan3A_3 = arith.constant 0 : i32
    %scan3A_4 = arith.constant 40 : i32
    %scan3A_5 = arith.addi %scan3A_3, %scan3A_4 : i32
    %scan3A_6 = arith.constant 1 : i32
    scf.for %scan3A_8 = %scan3A_3 to %scan3A_5 step %scan3A_6  : i32 {
      %mul3A_9 = arith.constant 128 : i32
      %mul3A_10 = arith.muli %scan3A_8, %mul3A_9 : i32
      %add3A_11 = arith.addi %mul3A_2, %mul3A_10 : i32
      "tpu.region"() ({
        %run_scoped3A = tpu.sem_alloc : memref<!tpu.dma_semaphore, #tpu.memory_space<semaphore_mem>>
        %dma_start3A_16 = tpu.memref_slice %arg3[%add3A_11] : memref<163840xi32, #tpu.memory_space<hbm>> -> memref<128xi32, #tpu.memory_space<hbm>>
        %dma_start3A_17 = tpu.memref_slice %arg3[%add3A_11] : memref<163840xi32, #tpu.memory_space<hbm>> -> memref<128xi32, #tpu.memory_space<hbm>>
        tpu.enqueue_dma source(%dma_start3A_17 : memref<128xi32, #tpu.memory_space<hbm>>) target(%arg5 : memref<128xi32, #tpu.memory_space<vmem>>) target_semaphore(%run_scoped3A : memref<!tpu.dma_semaphore, #tpu.memory_space<semaphore_mem>>)
        %dma_wait3A_18 = tpu.memref_slice %arg3[%add3A_11] : memref<163840xi32, #tpu.memory_space<hbm>> -> memref<128xi32, #tpu.memory_space<hbm>>
        %dma_wait3A_19 = tpu.memref_slice %arg3[%add3A_11] : memref<163840xi32, #tpu.memory_space<hbm>> -> memref<128xi32, #tpu.memory_space<hbm>>
        tpu.wait_dma2 semaphore(%run_scoped3A : memref<!tpu.dma_semaphore, #tpu.memory_space<semaphore_mem>>) src(%dma_wait3A_19 : memref<128xi32, #tpu.memory_space<hbm>>) dst(%arg5 : memref<128xi32, #tpu.memory_space<vmem>>)
        tpu.yield
      }) : () -> ()
      %dma_start3A = arith.constant 0 : i32
      %dma_start3A_12 = arith.constant 0 : i32
      %dma_start3A_13 = tpu.memref_slice %arg2[%dma_start3A, %dma_start3A_12] : memref<10000x128xf32, #tpu.memory_space<hbm>> -> memref<10000x128xf32, #tpu.memory_space<hbm>>
      tpu.enqueue_indirect_dma source(%dma_start3A_13 : memref<10000x128xf32, #tpu.memory_space<hbm>>) target(%arg6 : memref<128x128xf32, #tpu.memory_space<vmem>>) offsets(%arg5 : memref<128xi32, #tpu.memory_space<vmem>>) semaphore(%arg7 : memref<!tpu.dma_semaphore, #tpu.memory_space<semaphore_mem>>)
      %dma_wait3A = arith.constant 0 : i32
      %dma_wait3A_14 = arith.constant 0 : i32
      %dma_wait3A_15 = tpu.memref_slice %arg2[%dma_wait3A, %dma_wait3A_14] : memref<10000x128xf32, #tpu.memory_space<hbm>> -> memref<10000x128xf32, #tpu.memory_space<hbm>>
      tpu.wait_indirect_dma semaphore(%arg7 : memref<!tpu.dma_semaphore, #tpu.memory_space<semaphore_mem>>) src(%dma_wait3A_15 : memref<10000x128xf32, #tpu.memory_space<hbm>>) dst(%arg6 : memref<128x128xf32, #tpu.memory_space<vmem>>)
      "tpu.region"() ({
        %run_scoped3A = tpu.sem_alloc : memref<!tpu.dma_semaphore, #tpu.memory_space<semaphore_mem>>
        %dma_start3A_16 = arith.constant 0 : i32
        %dma_start3A_17 = tpu.memref_slice %arg4[%add3A_11, %dma_start3A_16] : memref<163840x128xf32, #tpu.memory_space<hbm>> -> memref<128x128xf32, #tpu.memory_space<hbm>>
        %dma_start3A_18 = arith.constant 0 : i32
        %dma_start3A_19 = tpu.memref_slice %arg4[%add3A_11, %dma_start3A_18] : memref<163840x128xf32, #tpu.memory_space<hbm>> -> memref<128x128xf32, #tpu.memory_space<hbm>>
        tpu.enqueue_dma source(%arg6 : memref<128x128xf32, #tpu.memory_space<vmem>>) target(%dma_start3A_19 : memref<128x128xf32, #tpu.memory_space<hbm>>) target_semaphore(%run_scoped3A : memref<!tpu.dma_semaphore, #tpu.memory_space<semaphore_mem>>)
        %dma_wait3A_20 = arith.constant 0 : i32
        %dma_wait3A_21 = tpu.memref_slice %arg4[%add3A_11, %dma_wait3A_20] : memref<163840x128xf32, #tpu.memory_space<hbm>> -> memref<128x128xf32, #tpu.memory_space<hbm>>
        %dma_wait3A_22 = arith.constant 0 : i32
        %dma_wait3A_23 = tpu.memref_slice %arg4[%add3A_11, %dma_wait3A_22] : memref<163840x128xf32, #tpu.memory_space<hbm>> -> memref<128x128xf32, #tpu.memory_space<hbm>>
        tpu.wait_dma2 semaphore(%run_scoped3A : memref<!tpu.dma_semaphore, #tpu.memory_space<semaphore_mem>>) src(%arg6 : memref<128x128xf32, #tpu.memory_space<vmem>>) dst(%dma_wait3A_23 : memref<128x128xf32, #tpu.memory_space<hbm>>)
        tpu.yield
      }) : () -> ()
    }
    %scan3A_7 = arith.constant 40 : i32
    return
  }
}

#map = affine_map<(d0, d1) -> (0, 0)>
#map1 = affine_map<(d0, d1) -> (0)>
module attributes {stable_mosaic.version = 14 : i64} {
  func.func @gk(%arg0: i32, %arg1: i32, %arg2: memref<10240x128xf32, #tpu.memory_space<hbm>>, %arg3: memref<10240xi32, #tpu.memory_space<hbm>>, %arg4: memref<10240x128xf32, #tpu.memory_space<hbm>>, %arg5: memref<80xi32, #tpu.memory_space<vmem>>, %arg6: memref<80x128xf32, #tpu.memory_space<vmem>>, %arg7: memref<!tpu.dma_semaphore, #tpu.memory_space<semaphore_mem>>) attributes {dimension_semantics = [#tpu.dimension_semantics<core_parallel>, #tpu.dimension_semantics<subcore_parallel>], iteration_bounds = array<i64: 2, 16>, scalar_prefetch = 0 : i64, scratch_operands = 3 : i64, tpu.core_type = #tpu.core_type<sc_vector_subcore>, window_params = [{transform_indices = #map}, {transform_indices = #map1}, {transform_indices = #map}]} {
    %mul3A = arith.constant 2 : i32
    %mul3A_0 = arith.muli %arg1, %mul3A : i32
    %add3A = arith.addi %mul3A_0, %arg0 : i32
    %mul3A_1 = arith.constant 320 : i32
    %mul3A_2 = arith.muli %add3A, %mul3A_1 : i32
    %scan3A = arith.constant 0 : i32
    %scan3A_3 = arith.constant 0 : i32
    %scan3A_4 = arith.constant 4 : i32
    %scan3A_5 = arith.addi %scan3A_3, %scan3A_4 : i32
    %scan3A_6 = arith.constant 1 : i32
    scf.for %scan3A_8 = %scan3A_3 to %scan3A_5 step %scan3A_6  : i32 {
      %mul3A_9 = arith.constant 80 : i32
      %mul3A_10 = arith.muli %scan3A_8, %mul3A_9 : i32
      %add3A_11 = arith.addi %mul3A_2, %mul3A_10 : i32
      "tpu.region"() ({
        %run_scoped3A = tpu.sem_alloc : memref<!tpu.dma_semaphore, #tpu.memory_space<semaphore_mem>>
        %dma_start3A_16 = tpu.memref_slice %arg3[%add3A_11] : memref<10240xi32, #tpu.memory_space<hbm>> -> memref<80xi32, #tpu.memory_space<hbm>>
        %dma_start3A_17 = tpu.memref_slice %arg3[%add3A_11] : memref<10240xi32, #tpu.memory_space<hbm>> -> memref<80xi32, #tpu.memory_space<hbm>>
        tpu.enqueue_dma source(%dma_start3A_17 : memref<80xi32, #tpu.memory_space<hbm>>) target(%arg5 : memref<80xi32, #tpu.memory_space<vmem>>) target_semaphore(%run_scoped3A : memref<!tpu.dma_semaphore, #tpu.memory_space<semaphore_mem>>)
        %dma_wait3A_18 = tpu.memref_slice %arg3[%add3A_11] : memref<10240xi32, #tpu.memory_space<hbm>> -> memref<80xi32, #tpu.memory_space<hbm>>
        %dma_wait3A_19 = tpu.memref_slice %arg3[%add3A_11] : memref<10240xi32, #tpu.memory_space<hbm>> -> memref<80xi32, #tpu.memory_space<hbm>>
        tpu.wait_dma2 semaphore(%run_scoped3A : memref<!tpu.dma_semaphore, #tpu.memory_space<semaphore_mem>>) src(%dma_wait3A_19 : memref<80xi32, #tpu.memory_space<hbm>>) dst(%arg5 : memref<80xi32, #tpu.memory_space<vmem>>)
        tpu.yield
      }) : () -> ()
      %dma_start3A = arith.constant 0 : i32
      %dma_start3A_12 = arith.constant 0 : i32
      %dma_start3A_13 = tpu.memref_slice %arg2[%dma_start3A, %dma_start3A_12] : memref<10240x128xf32, #tpu.memory_space<hbm>> -> memref<10240x128xf32, #tpu.memory_space<hbm>>
      tpu.enqueue_indirect_dma source(%dma_start3A_13 : memref<10240x128xf32, #tpu.memory_space<hbm>>) target(%arg6 : memref<80x128xf32, #tpu.memory_space<vmem>>) offsets(%arg5 : memref<80xi32, #tpu.memory_space<vmem>>) semaphore(%arg7 : memref<!tpu.dma_semaphore, #tpu.memory_space<semaphore_mem>>)
      %dma_wait3A = arith.constant 0 : i32
      %dma_wait3A_14 = arith.constant 0 : i32
      %dma_wait3A_15 = tpu.memref_slice %arg2[%dma_wait3A, %dma_wait3A_14] : memref<10240x128xf32, #tpu.memory_space<hbm>> -> memref<10240x128xf32, #tpu.memory_space<hbm>>
      tpu.wait_indirect_dma semaphore(%arg7 : memref<!tpu.dma_semaphore, #tpu.memory_space<semaphore_mem>>) src(%dma_wait3A_15 : memref<10240x128xf32, #tpu.memory_space<hbm>>) dst(%arg6 : memref<80x128xf32, #tpu.memory_space<vmem>>)
      "tpu.region"() ({
        %run_scoped3A = tpu.sem_alloc : memref<!tpu.dma_semaphore, #tpu.memory_space<semaphore_mem>>
        %dma_start3A_16 = arith.constant 0 : i32
        %dma_start3A_17 = tpu.memref_slice %arg4[%add3A_11, %dma_start3A_16] : memref<10240x128xf32, #tpu.memory_space<hbm>> -> memref<80x128xf32, #tpu.memory_space<hbm>>
        %dma_start3A_18 = arith.constant 0 : i32
        %dma_start3A_19 = tpu.memref_slice %arg4[%add3A_11, %dma_start3A_18] : memref<10240x128xf32, #tpu.memory_space<hbm>> -> memref<80x128xf32, #tpu.memory_space<hbm>>
        tpu.enqueue_dma source(%arg6 : memref<80x128xf32, #tpu.memory_space<vmem>>) target(%dma_start3A_19 : memref<80x128xf32, #tpu.memory_space<hbm>>) target_semaphore(%run_scoped3A : memref<!tpu.dma_semaphore, #tpu.memory_space<semaphore_mem>>)
        %dma_wait3A_20 = arith.constant 0 : i32
        %dma_wait3A_21 = tpu.memref_slice %arg4[%add3A_11, %dma_wait3A_20] : memref<10240x128xf32, #tpu.memory_space<hbm>> -> memref<80x128xf32, #tpu.memory_space<hbm>>
        %dma_wait3A_22 = arith.constant 0 : i32
        %dma_wait3A_23 = tpu.memref_slice %arg4[%add3A_11, %dma_wait3A_22] : memref<10240x128xf32, #tpu.memory_space<hbm>> -> memref<80x128xf32, #tpu.memory_space<hbm>>
        tpu.wait_dma2 semaphore(%run_scoped3A : memref<!tpu.dma_semaphore, #tpu.memory_space<semaphore_mem>>) src(%arg6 : memref<80x128xf32, #tpu.memory_space<vmem>>) dst(%dma_wait3A_23 : memref<80x128xf32, #tpu.memory_space<hbm>>)
        tpu.yield
      }) : () -> ()
    }
    %scan3A_7 = arith.constant 4 : i32
    return
  }
}

module attributes {stable_mosaic.version = 14 : i64} {
  func.func @_tc_lstm_body(%arg0: memref<10240xi32, #tpu.memory_space<smem>>, %arg1: memref<1xi32, #tpu.memory_space<smem>>, %arg2: memref<163840x128xf32, #tpu.memory_space<any>>, %arg3: memref<128x512xf32, #tpu.memory_space<vmem>>, %arg4: memref<128x512xf32, #tpu.memory_space<vmem>>, %arg5: memref<1x512xf32, #tpu.memory_space<vmem>>, %arg6: memref<128x128xf32, #tpu.memory_space<vmem>>, %arg7: memref<10240x128xf32, #tpu.memory_space<vmem>>, %arg8: memref<10240x128xf32, #tpu.memory_space<vmem>>, %arg9: memref<10240x128xf32, #tpu.memory_space<vmem>>, %arg10: memref<10240x128xf32, #tpu.memory_space<vmem>>, %arg11: memref<!tpu.dma_semaphore, #tpu.memory_space<semaphore_mem>>) attributes {dimension_semantics = [], scalar_prefetch = 0 : i64, scratch_operands = 4 : i64, tpu.core_type = #tpu.core_type<tc>} {
    %get3A = arith.constant 0 : index
    %get3A_0 = memref.load %arg1[%get3A] : memref<1xi32, #tpu.memory_space<smem>>
    %scan3A = arith.constant 0 : i32
    %scan3A_1 = arith.constant 40 : i32
    %scan3A_2 = arith.addi %scan3A, %scan3A_1 : i32
    %scan3A_3 = arith.constant 1 : i32
    scf.for %scan3A_13 = %scan3A to %scan3A_2 step %scan3A_3  : i32 {
      %broadcast_in_dim3A = arith.constant 0.000000e+00 : f32
      %broadcast_in_dim3A_14 = vector.broadcast %broadcast_in_dim3A : f32 to vector<256x128xf32>
      %mul3A = arith.constant 256 : i32
      %mul3A_15 = arith.muli %scan3A_13, %mul3A : i32
      %swap3A = arith.index_cast %mul3A_15 : i32 to index
      %swap3A_16 = arith.constant 0 : index
      %swap3A_17 = vector.load %arg8[%swap3A, %swap3A_16] : memref<10240x128xf32, #tpu.memory_space<vmem>>, vector<256x128xf32>
      tpu.vector_store %arg8[%swap3A, %swap3A_16], %broadcast_in_dim3A_14 {strides = array<i32>} : memref<10240x128xf32, #tpu.memory_space<vmem>>, vector<256x128xf32>,
      %broadcast_in_dim3A_18 = arith.constant 0.000000e+00 : f32
      %broadcast_in_dim3A_19 = vector.broadcast %broadcast_in_dim3A_18 : f32 to vector<256x128xf32>
      %mul3A_20 = arith.constant 256 : i32
      %mul3A_21 = arith.muli %scan3A_13, %mul3A_20 : i32
      %swap3A_22 = arith.index_cast %mul3A_21 : i32 to index
      %swap3A_23 = arith.constant 0 : index
      %swap3A_24 = vector.load %arg9[%swap3A_22, %swap3A_23] : memref<10240x128xf32, #tpu.memory_space<vmem>>, vector<256x128xf32>
      tpu.vector_store %arg9[%swap3A_22, %swap3A_23], %broadcast_in_dim3A_19 {strides = array<i32>} : memref<10240x128xf32, #tpu.memory_space<vmem>>, vector<256x128xf32>,
    }
    %scan3A_4 = arith.constant 40 : i32
    %while3A = arith.constant 0 : i32
    %while3A_5 = arith.constant 10240 : i32
    %while3A_6 = arith.constant 0 : i32
    %while3A_7:3 = scf.while (%while3A_13 = %while3A, %while3A_14 = %while3A_5, %while3A_15 = %while3A_6) : (i32, i32, i32) -> (i32, i32, i32) {
      %lt3A = arith.cmpi slt, %while3A_13, %get3A_0 : i32
      scf.condition(%lt3A) %while3A_13, %while3A_14, %while3A_15 : i32, i32, i32
    } do {
    ^bb0(%while3A_13: i32, %while3A_14: i32, %while3A_15: i32):
      %while3A_16 = scf.while (%while3A_42 = %while3A_14) : (i32) -> i32 {
        %gt3A = arith.constant 0 : i32
        %gt3A_43 = arith.cmpi sgt, %while3A_42, %gt3A : i32
        %sub3A = arith.constant 1 : i32
        %sub3A_44 = arith.subi %while3A_42, %sub3A : i32
        %get3A_45 = arith.index_cast %sub3A_44 : i32 to index
        %get3A_46 = memref.load %arg0[%get3A_45] : memref<10240xi32, #tpu.memory_space<smem>>
        %le3A = arith.cmpi sle, %get3A_46, %while3A_13 : i32
        %and3A = arith.andi %gt3A_43, %le3A : i1
        scf.condition(%and3A) %while3A_42 : i32
      } do {
      ^bb0(%while3A_42: i32):
        %sub3A = arith.constant 1 : i32
        %sub3A_43 = arith.subi %while3A_42, %sub3A : i32
        scf.yield %sub3A_43 : i32
      }
      %add3A = arith.constant 255 : i32
      %add3A_17 = arith.addi %while3A_16, %add3A : i32
      %div3A = arith.constant 256 : i32
      %div3A_18 = arith.divsi %add3A_17, %div3A : i32
      %while3A_19 = arith.constant 0 : i32
      %while3A_20 = arith.constant 0 : i32
      %while3A_21 = arith.subi %div3A_18, %while3A_20 : i32
      %while3A_22 = arith.addi %while3A_20, %while3A_21 : i32
      %while3A_23 = arith.constant 1 : i32
      %while3A_24 = arith.divsi %while3A_21, %while3A_23 : i32
      %while3A_25 = arith.muli %while3A_24, %while3A_23 : i32
      %while3A_26 = arith.addi %while3A_20, %while3A_25 : i32
      %while3A_27 = arith.constant 1 : i32
      scf.for %while3A_42 = %while3A_20 to %while3A_26 step %while3A_27  : i32 {
        %mul3A = arith.constant 256 : i32
        %mul3A_43 = arith.muli %while3A_42, %mul3A : i32
        %add3A_44 = arith.addi %while3A_15, %mul3A_43 : i32
        %mul3A_45 = arith.constant 256 : i32
        %mul3A_46 = arith.muli %while3A_42, %mul3A_45 : i32
        %dma_start3A = arith.constant 0 : i32
        %dma_start3A_47 = tpu.memref_slice %arg10[%mul3A_46, %dma_start3A] : memref<10240x128xf32, #tpu.memory_space<vmem>> -> memref<256x128xf32, #tpu.memory_space<vmem>>
        %dma_start3A_48 = arith.constant 0 : i32
        %dma_start3A_49 = tpu.memref_slice %arg2[%add3A_44, %dma_start3A_48] : memref<163840x128xf32, #tpu.memory_space<any>> -> memref<256x128xf32, #tpu.memory_space<any>>
        tpu.enqueue_dma source(%dma_start3A_49 : memref<256x128xf32, #tpu.memory_space<any>>) target(%dma_start3A_47 : memref<256x128xf32, #tpu.memory_space<vmem>>) target_semaphore(%arg11 : memref<!tpu.dma_semaphore, #tpu.memory_space<semaphore_mem>>)
      }
      %while3A_28 = arith.constant 1 : i32
      scf.for %while3A_42 = %while3A_26 to %while3A_22 step %while3A_28  : i32 {
        %mul3A = arith.constant 256 : i32
        %mul3A_43 = arith.muli %while3A_42, %mul3A : i32
        %add3A_44 = arith.addi %while3A_15, %mul3A_43 : i32
        %mul3A_45 = arith.constant 256 : i32
        %mul3A_46 = arith.muli %while3A_42, %mul3A_45 : i32
        %dma_start3A = arith.constant 0 : i32
        %dma_start3A_47 = tpu.memref_slice %arg10[%mul3A_46, %dma_start3A] : memref<10240x128xf32, #tpu.memory_space<vmem>> -> memref<256x128xf32, #tpu.memory_space<vmem>>
        %dma_start3A_48 = arith.constant 0 : i32
        %dma_start3A_49 = tpu.memref_slice %arg2[%add3A_44, %dma_start3A_48] : memref<163840x128xf32, #tpu.memory_space<any>> -> memref<256x128xf32, #tpu.memory_space<any>>
        tpu.enqueue_dma source(%dma_start3A_49 : memref<256x128xf32, #tpu.memory_space<any>>) target(%dma_start3A_47 : memref<256x128xf32, #tpu.memory_space<vmem>>) target_semaphore(%arg11 : memref<!tpu.dma_semaphore, #tpu.memory_space<semaphore_mem>>)
      }
      %while3A_29 = arith.constant 0 : i32
      %while3A_30 = arith.constant 0 : i32
      %while3A_31 = arith.subi %div3A_18, %while3A_30 : i32
      %while3A_32 = arith.addi %while3A_30, %while3A_31 : i32
      %while3A_33 = arith.constant 1 : i32
      %while3A_34 = arith.divsi %while3A_31, %while3A_33 : i32
      %while3A_35 = arith.muli %while3A_34, %while3A_33 : i32
      %while3A_36 = arith.addi %while3A_30, %while3A_35 : i32
      %while3A_37 = arith.constant 1 : i32
      scf.for %while3A_42 = %while3A_30 to %while3A_36 step %while3A_37  : i32 {
        %mul3A = arith.constant 256 : i32
        %mul3A_43 = arith.muli %while3A_42, %mul3A : i32
        %add3A_44 = arith.addi %while3A_15, %mul3A_43 : i32
        %mul3A_45 = arith.constant 256 : i32
        %mul3A_46 = arith.muli %while3A_42, %mul3A_45 : i32
        %dma_wait3A = arith.constant 0 : i32
        %dma_wait3A_47 = tpu.memref_slice %arg10[%mul3A_46, %dma_wait3A] : memref<10240x128xf32, #tpu.memory_space<vmem>> -> memref<256x128xf32, #tpu.memory_space<vmem>>
        %dma_wait3A_48 = arith.constant 0 : i32
        %dma_wait3A_49 = tpu.memref_slice %arg2[%add3A_44, %dma_wait3A_48] : memref<163840x128xf32, #tpu.memory_space<any>> -> memref<256x128xf32, #tpu.memory_space<any>>
        tpu.wait_dma2 semaphore(%arg11 : memref<!tpu.dma_semaphore, #tpu.memory_space<semaphore_mem>>) src(%dma_wait3A_49 : memref<256x128xf32, #tpu.memory_space<any>>) dst(%dma_wait3A_47 : memref<256x128xf32, #tpu.memory_space<vmem>>)
        %mul3A_50 = arith.constant 256 : i32
        %mul3A_51 = arith.muli %while3A_42, %mul3A_50 : i32
        %get3A_52 = arith.index_cast %mul3A_51 : i32 to index
        %get3A_53 = arith.constant 0 : index
        %get3A_54 = vector.load %arg10[%get3A_52, %get3A_53] : memref<10240x128xf32, #tpu.memory_space<vmem>>, vector<256x128xf32>
        %get3A_55 = arith.index_cast %mul3A_51 : i32 to index
        %get3A_56 = arith.constant 0 : index
        %get3A_57 = vector.load %arg8[%get3A_55, %get3A_56] : memref<10240x128xf32, #tpu.memory_space<vmem>>, vector<256x128xf32>
        %get3A_58 = arith.index_cast %mul3A_51 : i32 to index
        %get3A_59 = arith.constant 0 : index
        %get3A_60 = vector.load %arg9[%get3A_58, %get3A_59] : memref<10240x128xf32, #tpu.memory_space<vmem>>, vector<256x128xf32>
        %get3A_61 = arith.constant 0 : index
        %get3A_62 = arith.constant 0 : index
        %get3A_63 = vector.load %arg3[%get3A_61, %get3A_62] : memref<128x512xf32, #tpu.memory_space<vmem>>, vector<128x512xf32>
        %dot_general3A = arith.constant dense<0.000000e+00> : vector<256x512xf32>
        %dot_general3A_64 = tpu.matmul %get3A_54, %get3A_63, %dot_general3A {dimension_numbers = #tpu.dot_dimension_numbers<[1], [0], [0], [1], [0, 0, 1, 1], [], []>, transpose_lhs_hint = false} : vector<256x128xf32>, vector<128x512xf32>, vector<256x512xf32> -> vector<256x512xf32>
        %get3A_65 = arith.constant 0 : index
        %get3A_66 = arith.constant 0 : index
        %get3A_67 = vector.load %arg4[%get3A_65, %get3A_66] : memref<128x512xf32, #tpu.memory_space<vmem>>, vector<128x512xf32>
        %dot_general3A_68 = arith.constant dense<0.000000e+00> : vector<256x512xf32>
        %dot_general3A_69 = tpu.matmul %get3A_57, %get3A_67, %dot_general3A_68 {dimension_numbers = #tpu.dot_dimension_numbers<[1], [0], [0], [1], [0, 0, 1, 1], [], []>, transpose_lhs_hint = false} : vector<256x128xf32>, vector<128x512xf32>, vector<256x512xf32> -> vector<256x512xf32>
        %add3A_70 = arith.addf %dot_general3A_64, %dot_general3A_69 : vector<256x512xf32>
        %get3A_71 = arith.constant 0 : index
        %get3A_72 = arith.constant 0 : index
        %get3A_73 = vector.load %arg5[%get3A_71, %get3A_72] : memref<1x512xf32, #tpu.memory_space<vmem>>, vector<1x512xf32>
        %add3A_74 = vector.broadcast %get3A_73 : vector<1x512xf32> to vector<256x512xf32>
        %add3A_75 = arith.addf %add3A_70, %add3A_74 : vector<256x512xf32>
        %slice3A = vector.extract_strided_slice %add3A_75 {offsets = [0, 0], sizes = [256, 128], strides = [1, 1]} : vector<256x512xf32> to vector<256x128xf32>
        %logistic3A = arith.negf %slice3A : vector<256x128xf32>
        %logistic3A_76 = math.exp %logistic3A : vector<256x128xf32>
        %logistic3A_77 = arith.constant 1.000000e+00 : f32
        %logistic3A_78 = vector.broadcast %logistic3A_77 : f32 to vector<256x128xf32>
        %logistic3A_79 = arith.addf %logistic3A_78, %logistic3A_76 : vector<256x128xf32>
        %logistic3A_80 = arith.divf %logistic3A_78, %logistic3A_79 : vector<256x128xf32>
        %slice3A_81 = vector.extract_strided_slice %add3A_75 {offsets = [0, 128], sizes = [256, 128], strides = [1, 1]} : vector<256x512xf32> to vector<256x128xf32>
        %logistic3A_82 = arith.negf %slice3A_81 : vector<256x128xf32>
        %logistic3A_83 = math.exp %logistic3A_82 : vector<256x128xf32>
        %logistic3A_84 = arith.constant 1.000000e+00 : f32
        %logistic3A_85 = vector.broadcast %logistic3A_84 : f32 to vector<256x128xf32>
        %logistic3A_86 = arith.addf %logistic3A_85, %logistic3A_83 : vector<256x128xf32>
        %logistic3A_87 = arith.divf %logistic3A_85, %logistic3A_86 : vector<256x128xf32>
        %slice3A_88 = vector.extract_strided_slice %add3A_75 {offsets = [0, 256], sizes = [256, 128], strides = [1, 1]} : vector<256x512xf32> to vector<256x128xf32>
        %tanh3A = math.tanh %slice3A_88 : vector<256x128xf32>
        %slice3A_89 = vector.extract_strided_slice %add3A_75 {offsets = [0, 384], sizes = [256, 128], strides = [1, 1]} : vector<256x512xf32> to vector<256x128xf32>
        %logistic3A_90 = arith.negf %slice3A_89 : vector<256x128xf32>
        %logistic3A_91 = math.exp %logistic3A_90 : vector<256x128xf32>
        %logistic3A_92 = arith.constant 1.000000e+00 : f32
        %logistic3A_93 = vector.broadcast %logistic3A_92 : f32 to vector<256x128xf32>
        %logistic3A_94 = arith.addf %logistic3A_93, %logistic3A_91 : vector<256x128xf32>
        %logistic3A_95 = arith.divf %logistic3A_93, %logistic3A_94 : vector<256x128xf32>
        %mul3A_96 = arith.mulf %logistic3A_87, %get3A_60 : vector<256x128xf32>
        %mul3A_97 = arith.mulf %logistic3A_80, %tanh3A : vector<256x128xf32>
        %add3A_98 = arith.addf %mul3A_96, %mul3A_97 : vector<256x128xf32>
        %tanh3A_99 = math.tanh %add3A_98 : vector<256x128xf32>
        %mul3A_100 = arith.mulf %logistic3A_95, %tanh3A_99 : vector<256x128xf32>
        %mul3A_101 = arith.constant 256 : i32
        %mul3A_102 = arith.muli %while3A_42, %mul3A_101 : i32
        %iota3A = tpu.iota {dimensions = array<i32: 0>} : vector<256x128xi32>
        %add3A_103 = vector.broadcast %mul3A_102 : i32 to vector<256x128xi32>
        %add3A_104 = arith.addi %add3A_103, %iota3A : vector<256x128xi32>
        %lt3A = vector.broadcast %while3A_16 : i32 to vector<256x128xi32>
        %lt3A_105 = arith.cmpi slt, %add3A_104, %lt3A : vector<256x128xi32>
        %select_n3A = arith.select %lt3A_105, %mul3A_100, %get3A_57 : vector<256x128xi1>, vector<256x128xf32>
        %swap3A = arith.index_cast %mul3A_51 : i32 to index
        %swap3A_106 = arith.constant 0 : index
        %swap3A_107 = vector.load %arg8[%swap3A, %swap3A_106] : memref<10240x128xf32, #tpu.memory_space<vmem>>, vector<256x128xf32>
        tpu.vector_store %arg8[%swap3A, %swap3A_106], %select_n3A {strides = array<i32>} : memref<10240x128xf32, #tpu.memory_space<vmem>>, vector<256x128xf32>,
        %select_n3A_108 = arith.select %lt3A_105, %add3A_98, %get3A_60 : vector<256x128xi1>, vector<256x128xf32>
        %swap3A_109 = arith.index_cast %mul3A_51 : i32 to index
        %swap3A_110 = arith.constant 0 : index
        %swap3A_111 = vector.load %arg9[%swap3A_109, %swap3A_110] : memref<10240x128xf32, #tpu.memory_space<vmem>>, vector<256x128xf32>
        tpu.vector_store %arg9[%swap3A_109, %swap3A_110], %select_n3A_108 {strides = array<i32>} : memref<10240x128xf32, #tpu.memory_space<vmem>>, vector<256x128xf32>,
      }
      %while3A_38 = arith.constant 1 : i32
      scf.for %while3A_42 = %while3A_36 to %while3A_32 step %while3A_38  : i32 {
        %mul3A = arith.constant 256 : i32
        %mul3A_43 = arith.muli %while3A_42, %mul3A : i32
        %add3A_44 = arith.addi %while3A_15, %mul3A_43 : i32
        %mul3A_45 = arith.constant 256 : i32
        %mul3A_46 = arith.muli %while3A_42, %mul3A_45 : i32
        %dma_wait3A = arith.constant 0 : i32
        %dma_wait3A_47 = tpu.memref_slice %arg10[%mul3A_46, %dma_wait3A] : memref<10240x128xf32, #tpu.memory_space<vmem>> -> memref<256x128xf32, #tpu.memory_space<vmem>>
        %dma_wait3A_48 = arith.constant 0 : i32
        %dma_wait3A_49 = tpu.memref_slice %arg2[%add3A_44, %dma_wait3A_48] : memref<163840x128xf32, #tpu.memory_space<any>> -> memref<256x128xf32, #tpu.memory_space<any>>
        tpu.wait_dma2 semaphore(%arg11 : memref<!tpu.dma_semaphore, #tpu.memory_space<semaphore_mem>>) src(%dma_wait3A_49 : memref<256x128xf32, #tpu.memory_space<any>>) dst(%dma_wait3A_47 : memref<256x128xf32, #tpu.memory_space<vmem>>)
        %mul3A_50 = arith.constant 256 : i32
        %mul3A_51 = arith.muli %while3A_42, %mul3A_50 : i32
        %get3A_52 = arith.index_cast %mul3A_51 : i32 to index
        %get3A_53 = arith.constant 0 : index
        %get3A_54 = vector.load %arg10[%get3A_52, %get3A_53] : memref<10240x128xf32, #tpu.memory_space<vmem>>, vector<256x128xf32>
        %get3A_55 = arith.index_cast %mul3A_51 : i32 to index
        %get3A_56 = arith.constant 0 : index
        %get3A_57 = vector.load %arg8[%get3A_55, %get3A_56] : memref<10240x128xf32, #tpu.memory_space<vmem>>, vector<256x128xf32>
        %get3A_58 = arith.index_cast %mul3A_51 : i32 to index
        %get3A_59 = arith.constant 0 : index
        %get3A_60 = vector.load %arg9[%get3A_58, %get3A_59] : memref<10240x128xf32, #tpu.memory_space<vmem>>, vector<256x128xf32>
        %get3A_61 = arith.constant 0 : index
        %get3A_62 = arith.constant 0 : index
        %get3A_63 = vector.load %arg3[%get3A_61, %get3A_62] : memref<128x512xf32, #tpu.memory_space<vmem>>, vector<128x512xf32>
        %dot_general3A = arith.constant dense<0.000000e+00> : vector<256x512xf32>
        %dot_general3A_64 = tpu.matmul %get3A_54, %get3A_63, %dot_general3A {dimension_numbers = #tpu.dot_dimension_numbers<[1], [0], [0], [1], [0, 0, 1, 1], [], []>, transpose_lhs_hint = false} : vector<256x128xf32>, vector<128x512xf32>, vector<256x512xf32> -> vector<256x512xf32>
        %get3A_65 = arith.constant 0 : index
        %get3A_66 = arith.constant 0 : index
        %get3A_67 = vector.load %arg4[%get3A_65, %get3A_66] : memref<128x512xf32, #tpu.memory_space<vmem>>, vector<128x512xf32>
        %dot_general3A_68 = arith.constant dense<0.000000e+00> : vector<256x512xf32>
        %dot_general3A_69 = tpu.matmul %get3A_57, %get3A_67, %dot_general3A_68 {dimension_numbers = #tpu.dot_dimension_numbers<[1], [0], [0], [1], [0, 0, 1, 1], [], []>, transpose_lhs_hint = false} : vector<256x128xf32>, vector<128x512xf32>, vector<256x512xf32> -> vector<256x512xf32>
        %add3A_70 = arith.addf %dot_general3A_64, %dot_general3A_69 : vector<256x512xf32>
        %get3A_71 = arith.constant 0 : index
        %get3A_72 = arith.constant 0 : index
        %get3A_73 = vector.load %arg5[%get3A_71, %get3A_72] : memref<1x512xf32, #tpu.memory_space<vmem>>, vector<1x512xf32>
        %add3A_74 = vector.broadcast %get3A_73 : vector<1x512xf32> to vector<256x512xf32>
        %add3A_75 = arith.addf %add3A_70, %add3A_74 : vector<256x512xf32>
        %slice3A = vector.extract_strided_slice %add3A_75 {offsets = [0, 0], sizes = [256, 128], strides = [1, 1]} : vector<256x512xf32> to vector<256x128xf32>
        %logistic3A = arith.negf %slice3A : vector<256x128xf32>
        %logistic3A_76 = math.exp %logistic3A : vector<256x128xf32>
        %logistic3A_77 = arith.constant 1.000000e+00 : f32
        %logistic3A_78 = vector.broadcast %logistic3A_77 : f32 to vector<256x128xf32>
        %logistic3A_79 = arith.addf %logistic3A_78, %logistic3A_76 : vector<256x128xf32>
        %logistic3A_80 = arith.divf %logistic3A_78, %logistic3A_79 : vector<256x128xf32>
        %slice3A_81 = vector.extract_strided_slice %add3A_75 {offsets = [0, 128], sizes = [256, 128], strides = [1, 1]} : vector<256x512xf32> to vector<256x128xf32>
        %logistic3A_82 = arith.negf %slice3A_81 : vector<256x128xf32>
        %logistic3A_83 = math.exp %logistic3A_82 : vector<256x128xf32>
        %logistic3A_84 = arith.constant 1.000000e+00 : f32
        %logistic3A_85 = vector.broadcast %logistic3A_84 : f32 to vector<256x128xf32>
        %logistic3A_86 = arith.addf %logistic3A_85, %logistic3A_83 : vector<256x128xf32>
        %logistic3A_87 = arith.divf %logistic3A_85, %logistic3A_86 : vector<256x128xf32>
        %slice3A_88 = vector.extract_strided_slice %add3A_75 {offsets = [0, 256], sizes = [256, 128], strides = [1, 1]} : vector<256x512xf32> to vector<256x128xf32>
        %tanh3A = math.tanh %slice3A_88 : vector<256x128xf32>
        %slice3A_89 = vector.extract_strided_slice %add3A_75 {offsets = [0, 384], sizes = [256, 128], strides = [1, 1]} : vector<256x512xf32> to vector<256x128xf32>
        %logistic3A_90 = arith.negf %slice3A_89 : vector<256x128xf32>
        %logistic3A_91 = math.exp %logistic3A_90 : vector<256x128xf32>
        %logistic3A_92 = arith.constant 1.000000e+00 : f32
        %logistic3A_93 = vector.broadcast %logistic3A_92 : f32 to vector<256x128xf32>
        %logistic3A_94 = arith.addf %logistic3A_93, %logistic3A_91 : vector<256x128xf32>
        %logistic3A_95 = arith.divf %logistic3A_93, %logistic3A_94 : vector<256x128xf32>
        %mul3A_96 = arith.mulf %logistic3A_87, %get3A_60 : vector<256x128xf32>
        %mul3A_97 = arith.mulf %logistic3A_80, %tanh3A : vector<256x128xf32>
        %add3A_98 = arith.addf %mul3A_96, %mul3A_97 : vector<256x128xf32>
        %tanh3A_99 = math.tanh %add3A_98 : vector<256x128xf32>
        %mul3A_100 = arith.mulf %logistic3A_95, %tanh3A_99 : vector<256x128xf32>
        %mul3A_101 = arith.constant 256 : i32
        %mul3A_102 = arith.muli %while3A_42, %mul3A_101 : i32
        %iota3A = tpu.iota {dimensions = array<i32: 0>} : vector<256x128xi32>
        %add3A_103 = vector.broadcast %mul3A_102 : i32 to vector<256x128xi32>
        %add3A_104 = arith.addi %add3A_103, %iota3A : vector<256x128xi32>
        %lt3A = vector.broadcast %while3A_16 : i32 to vector<256x128xi32>
        %lt3A_105 = arith.cmpi slt, %add3A_104, %lt3A : vector<256x128xi32>
        %select_n3A = arith.select %lt3A_105, %mul3A_100, %get3A_57 : vector<256x128xi1>, vector<256x128xf32>
        %swap3A = arith.index_cast %mul3A_51 : i32 to index
        %swap3A_106 = arith.constant 0 : index
        %swap3A_107 = vector.load %arg8[%swap3A, %swap3A_106] : memref<10240x128xf32, #tpu.memory_space<vmem>>, vector<256x128xf32>
        tpu.vector_store %arg8[%swap3A, %swap3A_106], %select_n3A {strides = array<i32>} : memref<10240x128xf32, #tpu.memory_space<vmem>>, vector<256x128xf32>,
        %select_n3A_108 = arith.select %lt3A_105, %add3A_98, %get3A_60 : vector<256x128xi1>, vector<256x128xf32>
        %swap3A_109 = arith.index_cast %mul3A_51 : i32 to index
        %swap3A_110 = arith.constant 0 : index
        %swap3A_111 = vector.load %arg9[%swap3A_109, %swap3A_110] : memref<10240x128xf32, #tpu.memory_space<vmem>>, vector<256x128xf32>
        tpu.vector_store %arg9[%swap3A_109, %swap3A_110], %select_n3A_108 {strides = array<i32>} : memref<10240x128xf32, #tpu.memory_space<vmem>>, vector<256x128xf32>,
      }
      %add3A_39 = arith.constant 1 : i32
      %add3A_40 = arith.addi %while3A_13, %add3A_39 : i32
      %add3A_41 = arith.addi %while3A_15, %while3A_16 : i32
      scf.yield %add3A_40, %while3A_16, %add3A_41 : i32, i32, i32
    }
    %scan3A_8 = arith.constant 0 : i32
    %scan3A_9 = arith.constant 40 : i32
    %scan3A_10 = arith.addi %scan3A_8, %scan3A_9 : i32
    %scan3A_11 = arith.constant 1 : i32
    scf.for %scan3A_13 = %scan3A_8 to %scan3A_10 step %scan3A_11  : i32 {
      %mul3A = arith.constant 256 : i32
      %mul3A_14 = arith.muli %scan3A_13, %mul3A : i32
      %get3A_15 = arith.index_cast %mul3A_14 : i32 to index
      %get3A_16 = arith.constant 0 : index
      %get3A_17 = vector.load %arg8[%get3A_15, %get3A_16] : memref<10240x128xf32, #tpu.memory_space<vmem>>, vector<256x128xf32>
      %get3A_18 = arith.constant 0 : index
      %get3A_19 = arith.constant 0 : index
      %get3A_20 = vector.load %arg6[%get3A_18, %get3A_19] : memref<128x128xf32, #tpu.memory_space<vmem>>, vector<128x128xf32>
      %dot_general3A = arith.constant dense<0.000000e+00> : vector<256x128xf32>
      %dot_general3A_21 = tpu.matmul %get3A_17, %get3A_20, %dot_general3A {dimension_numbers = #tpu.dot_dimension_numbers<[1], [0], [0], [1], [0, 0, 1, 1], [], []>, transpose_lhs_hint = false} : vector<256x128xf32>, vector<128x128xf32>, vector<256x128xf32> -> vector<256x128xf32>
      %swap3A = arith.index_cast %mul3A_14 : i32 to index
      %swap3A_22 = arith.constant 0 : index
      %swap3A_23 = vector.load %arg7[%swap3A, %swap3A_22] : memref<10240x128xf32, #tpu.memory_space<vmem>>, vector<256x128xf32>
      tpu.vector_store %arg7[%swap3A, %swap3A_22], %dot_general3A_21 {strides = array<i32>} : memref<10240x128xf32, #tpu.memory_space<vmem>>, vector<256x128xf32>,
    }
    %scan3A_12 = arith.constant 40 : i32
    return
  }
}

</mosaic_0001>

<sc_bundles>
// kernel: gather_offload_async_start
scs
__scs_entry_jumppad:
0x0: {  	(pc) =	sbr.rel $0x88, $3  }
0x1: {  	(tag) =	ssettag $0x0;
	lr =	simm.s32 $0x1  }
0x2: {  	[smem:$0x3F97] =	sst lr;
	_ =	strace $0xD0000000  }
0x3: {  	_ = 	snop  }
0x4: {  	_ = 	snop  }
0x5: {  	_ = 	snop  }
0x6: {  	_ = 	snop  }
0x7: {  	_ = 	snop  }
__scs_overlays_trampoline_lowered:
0x8: {  	[smem:$0x3FA6] =	sst s0  }
0x9: {  	[smem:$0x3FA7] =	sst s1  }
0xa: {  	[smem:$0x3FA8] =	sst s2  }
0xb: {  	[smem:$0x3FA9] =	sst s3  }
0xc: {  	[smem:$0x3FAA] =	sst s4  }
0xd: {  	[smem:$0x3FAB] =	sst s5  }
0xe: {  	[smem:$0x3FAC] =	sst s6  }
0xf: {  	[smem:$0x3FAD] =	sst s7  }
0x10: {  	[smem:$0x3FAE] =	sst s8  }
0x11: {  	[smem:$0x3FAF] =	sst s9;
	s0 =	simm.s32 @!p0 $0x0  }
0x12: {  	s1 =	sld [smem:$0x3F95];
	s0 =	simm.s32 @p0 $0x1  }
0x13: {  	[smem:$0x3FB0] =	sst s0;
	s0 =	simm.s32 @!p1 $0x0  }
0x14: {  	s2 =	sld [smem:$0x3F94];
	s0 =	simm.s32 @p1 $0x1  }
0x15: {  	[smem:$0x3FB1] =	sst s0;
	s0 =	simm.s32 @!p2 $0x0  }
0x16: {  	s3 =	sld [smem:$0x3FDB];
	s0 =	simm.s32 @p2 $0x1  }
0x17: {  	s4 =	simm.s32 $0x1BF5;
	[smem:$0x3FB3] =	sst s0  }
0x18: {  	s0 =	sld [smem:$0x3F96];
	_ =	swait.ge [sflag:s4], $0x0  }
0x19: {  	s7 =	sld [smem:$0x3F97]  }
0x1a: {  	s8 =	sadd.s32 $0xFFFFE003, lr  }
0x1b: {  	s9 =	sadd.s32 $0xFFFFFEF7, lr;
	s5 =	simm.s32 $0xFFFFFFFF;
	p2 =	slt.u32 s8, $0xFFFFF086  }
0x1c: {  	p1 =	slt.u32 s9, $0xF7A;
	s5 =	simm.s32 @!p2 $0x0  }
0x1d: {  	s5 =	simm.s32 @p1 $0x1;
	p0 =	seq.s32 s7, s2  }
0x1e: {  	s7 =	smul.u32 @!p0 $0xF7A, s2;
	p2 =	seq.s32 @!p0 s5, $0x0  }
0x1f: {  	s9 =	smul.u32 $0xF7A, s1;
	s8 =	simm.s32 @!p0 $0x1BF5;
	p2 =	por !p2, p0  }
0x20: {  	[sflag:s8] =	ssyncset.s32 @!p0 $0xFFFFF086;
	s6 =	sadd.s32 @!p0 s3, s7;
	s7 =	simm.s32 @!p0 $0x108  }
0x21: {  	s3 =	sadd.s32 s3, s9;
	s6 =	sadd.s32 @!p0 $0x88, s6;
	s7 =	simm.s32 @p2 $0x1082  }
0x22: {  	[simem:s7], [sflag:s8] =	dma.local @!p0 [hbm:s6], $0xF7A  }
0x23: {  	s9 =	sor.u32 $0xD0000000, s2;
	s6 =	simm.s32 $0x108;
	_ =	swait.ge @!p0 [sflag:s8], $0x0  }
0x24: {  	s3 =	sadd.s32 $0x88, s3;
	s6 =	simm.s32 @!p1 $0x1082;
	[sflag:s4] =	ssyncset.s32 $0xFFFFF086  }
0x25: {  	[simem:s6], [sflag:s4] =	dma.local [hbm:s3], $0xF7A  }
0x26: {  	[smem:$0x3F97] =	sst s1;
	(tag) =	ssettag s2;
	_ =	strace s9  }
0x27: {  	s1 =	sld [smem:$0x3FA7]  }
0x28: {  	s2 =	sld [smem:$0x3FA8]  }
0x29: {  	s4 =	sld [smem:$0x3FAA]  }
0x2a: {  	p0 =	seq.s32 s5, $0x0;
	s5 =	sld [smem:$0x3FAB]  }
0x2b: {  	s6 =	sld [smem:$0x3FAC]  }
0x2c: {  	s7 =	sld [smem:$0x3FAD]  }
0x2d: {  	s3 =	simm.s32 $0x108;
	s8 =	sld [smem:$0x3FAE]  }
0x2e: {  	s3 =	simm.s32 @!p0 $0x1082;
	s9 =	sld [smem:$0x3FAF]  }
0x2f: {  	lr =	sadd.s32 s0, s3;
	s0 =	sld [smem:$0x3FA6]  }
0x30: {  	s3 =	sld [smem:$0x3FA9]  }
0x31: {  	[smem:$0x3FB2] =	sst s10  }
0x32: {  	s10 =	sld [smem:$0x3FB0];
	_ =	sdelay $0x3  }
0x33: {  	p0 =	seq.s32 s10, $0x1;
	s10 =	sld [smem:$0x3FB2];
	_ =	sdelay $0x3  }
0x34: {  	[smem:$0x3FB2] =	sst s10  }
0x35: {  	s10 =	sld [smem:$0x3FB1];
	_ =	sdelay $0x3  }
0x36: {  	p1 =	seq.s32 s10, $0x1;
	s10 =	sld [smem:$0x3FB2];
	_ =	sdelay $0x3  }
0x37: {  	[smem:$0x3FB2] =	sst s10  }
0x38: {  	s10 =	sld [smem:$0x3FB3]  }
0x39: {  	_ = 	snop;
	(pc) =	sbr.ind lr, $3  }
0x3a: {  	_ = 	snop  }
0x3b: {  	_ = 	snop  }
0x3c: {  	p2 =	seq.s32 s10, $0x1;
	s10 =	sld [smem:$0x3FB2]  }
0x3d: {  	_ =	shalt  }
0x3e: {  	_ =	shalt  }
0x3f: {  	_ =	shalt  }
0x40: {  	_ =	shalt  }
0x41: {  	_ =	shalt  }
0x42: {  	_ =	shalt  }
0x43: {  	_ =	shalt  }
0x44: {  	_ =	shalt  }
0x45: {  	_ =	shalt  }
0x46: {  	_ =	shalt  }
0x47: {  	_ =	shalt  }
0x48: {  	_ =	shalt  }
0x49: {  	_ =	shalt  }
0x4a: {  	_ =	shalt  }
0x4b: {  	_ =	shalt  }
0x4c: {  	_ =	shalt  }
0x4d: {  	_ =	shalt  }
0x4e: {  	_ =	shalt  }
0x4f: {  	_ =	shalt  }
0x50: {  	_ =	shalt  }
0x51: {  	_ =	shalt  }
0x52: {  	_ =	shalt  }
0x53: {  	_ =	shalt  }
0x54: {  	_ =	shalt  }
0x55: {  	_ =	shalt  }
0x56: {  	_ =	shalt  }
0x57: {  	_ =	shalt  }
0x58: {  	_ =	shalt  }
0x59: {  	_ =	shalt  }
0x5a: {  	_ =	shalt  }
0x5b: {  	_ =	shalt  }
0x5c: {  	_ =	shalt  }
0x5d: {  	_ =	shalt  }
0x5e: {  	_ =	shalt  }
0x5f: {  	_ =	shalt  }
0x60: {  	_ =	shalt  }
0x61: {  	_ =	shalt  }
0x62: {  	_ =	shalt  }
0x63: {  	_ =	shalt  }
0x64: {  	_ =	shalt  }
0x65: {  	_ =	shalt  }
0x66: {  	_ =	shalt  }
0x67: {  	_ =	shalt  }
0x68: {  	_ =	shalt  }
0x69: {  	_ =	shalt  }
0x6a: {  	_ =	shalt  }
0x6b: {  	_ =	shalt  }
0x6c: {  	_ =	shalt  }
0x6d: {  	_ =	shalt  }
0x6e: {  	_ =	shalt  }
0x6f: {  	_ =	shalt  }
0x70: {  	_ =	shalt  }
0x71: {  	_ =	shalt  }
0x72: {  	_ =	shalt  }
0x73: {  	_ =	shalt  }
0x74: {  	_ =	shalt  }
0x75: {  	_ =	shalt  }
0x76: {  	_ =	shalt  }
0x77: {  	_ =	shalt  }
0x78: {  	_ =	shalt  }
0x79: {  	_ =	shalt  }
0x7a: {  	_ =	shalt  }
0x7b: {  	_ =	shalt  }
0x7c: {  	_ =	shalt  }
0x7d: {  	_ =	shalt  }
0x7e: {  	_ =	shalt  }
0x7f: {  	_ =	shalt  }
0x80: {  	_ =	shalt  }
0x81: {  	_ =	shalt  }
0x82: {  	_ =	shalt  }
0x83: {  	_ =	shalt  }
0x84: {  	_ =	shalt  }
0x85: {  	_ =	shalt  }
0x86: {  	_ =	shalt  }
0x87: {  	_ =	shalt  }
.Lfunc_end0:
.L_simem_size_0:
called_computation.2_lowered:
.L_overlay_start_0:
0x88: {  	s2 =	sld [smem:$0x3FD9]  }
0x89: {  	s3 =	sld [smem:$0x3FFE];
	_ =	sdelay $0x1  }
0x8a: {  	s1 =	srdreg.scid  }
0x8b: {  	s0 =	sand.u32 $0x1, s1  }
0x8c: {  	s16 =	sshll.u32 s0, $0xA;
	s2 =	sadd.s32 s3, s2  }
0x8d: {  	s2 =	sadd.s32 s2, s16  }
0x8e: {  	[smem:$0x3FBE] =	sst s2  }
0x8f: {  	_ = 	snop  }
0x90: {  	(tm) =	ssettm $0x1  }
0x91: {  	s17 =	sld [smem:$0x3FFB];
	_ =	sdelay $0x3  }
0x92: {  	_ =	strace s17  }
0x93: {  	s2 =	sld [smem:$0x3FFC];
	_ =	sdelay $0x3  }
0x94: {  	_ =	strace s2  }
0x95: {  	s2 =	sld [smem:$0x3FFD];
	_ =	sdelay $0x3  }
0x96: {  	_ =	strace s2  }
0x97: {  	_ =	strace $0x8FFFFFFF  }
0x98: {  	s18 =	sld [smem:$0x3FDB];
	_ =	sdelay $0x1  }
0x99: {  	s19 =	simm.s32 $_scs_section_size  }
0x9a: {  	s4 =	simm.s32 $_size__tile_overlayer_lowered;
	s5 =	simm.s32 $_tile_overlayer_lowered  }
0x9b: {  	s22 =	simm.s32 $0x1BFF;
	s21 =	sshll.u32 s5, $0x1;
	s2 =	sadd.s32 s19, s18  }
0x9c: {  	s6 =	simm.s32 $0x0;
	s20 =	sshll.u32 s4, $0x1;
	s4 =	sadd.s32 s21, s2  }
0x9d: {  	[timem:s6], [sflag:s22] =	dma.local [hbm:s4], s20  }
0x9e: {  	_ =	swait.ge [sflag:s22], s20  }
0x9f: {  	s3 =	ssub.s32 $0x0, s20;
	[sflag:s22] =	ssyncset.done $0x0  }
0xa0: {  	[sflag:s22] =	ssyncadd.s32 s3;
	_ =	sdelay $0x1  }
0xa1: {  	s23 =	simm.s32 $0x1B8B  }
0xa2: {  	_ =	swait.ge [sflag:s23], $0x1  }
0xa3: {  	[sflag:s23] =	ssyncset.done $0x0  }
0xa4: {  	s25 =	simm.s32 $0x1B8E;
	s24 =	sld [smem:$0x3FFE];
	[sflag:s23] =	ssyncadd.s32 $0xFFFFFFFF  }
0xa5: {  	s26 =	simm.s32 $execute0_lowered;
	[smem:$0x3FD2] =	sst s25  }
0xa6: {  	s4 =	sshll.u32 s26, $0x1;
	_ =	strace $0x8000004C;
	[dreg:$0x1] =	wrdreg $0xFFFFFFFF  }
0xa7: {  	s28 =	simm.s32 $_size_execute0_lowered;
	s2 =	sadd.s32 s2, s4;
	[dreg:$0x0] =	wrdreg $0x0  }
0xa8: {  	s4 =	sshll.u32 s28, $0x1;
	[dreg:$0x2] =	wrdreg s2  }
0xa9: {  	[dreg:$0x3] =	wrdreg s4  }
0xaa: {  	[dreg:$0x4] =	wrdreg $0xC0  }
0xab: {  	_ =	task [dreg:s6], $0x5FFFF  }
0xac: {  	[dreg:$0x1] =	wrdreg $0xFFFFFFFF  }
0xad: {  	[dreg:$0x0] =	wrdreg $0x60  }
0xae: {  	[dreg:$0x2] =	wrdreg s24  }
0xaf: {  	[dreg:$0x3] =	wrdreg $0x9  }
0xb0: {  	_ =	task.clear_ibuf [dreg:s6], $0x4FFFF;
	_ =	strace $0x9000004C  }
0xb1: {  	s29 =	simm.s32 $0x9;
	_ =	strace $0x8000004E  }
0xb2: {  	_ =	swait.ge [sflag:s29], $0x1  }
0xb3: {  	[sflag:s29] =	ssyncadd.s32 $0xFFFFFFFF  }
0xb4: {  	_ =	strace $0x9000004E  }
0xb5: {  	_ =	sfence  }
0xb6: {  	s30 =	sld [smem:$0x0];
	_ =	sdelay $0x2  }
0xb7: {  	s31 =	sshll.u32 s1, $0xD;
	s1 =	sshrl.u32 s1, $0x2  }
0xb8: {  	s3 =	sand.u32 $0x4000, s31;
	s1 =	sadd.s32 s1, s30  }
0xb9: {  	s0 =	sor.u32 s3, s0;
	s1 =	sshll.u32 s1, $0x11  }
0xba: {  	s0 =	sor.u32 s1, s0  }
0xbb: {  	s0 =	sadd.s32 $0x8F2B, s0  }
0xbc: {  	[sflag:s0] =	ssyncadd.remote.s32 $0x1  }
0xbd: {  	_ =	sfence.sel $0xFFFF  }
0xbe: {  	[dreg:$0x0] =	wrdreg $0xFFFFFFFF;
	(pc) =	sbr.abs _section_cstart, $3  }
0xbf: {  	[dreg:$0x1] =	wrdreg $0xFFFFFFFF  }
0xc0: {  	_ =	task.clear_ibuf [dreg:s6], $0x2FFFF;
	_ =	strace $0x9FFFFFFF  }
0xc1: {  	(tm) =	ssettm $0x7FFFFFFF  }
tec
execute0_lowered:
.L_overlay_start_1:
0x0: {  	(tag) =	ssettag $0x1  }
0x1: {  	s0 =	srdreg.scid;
	s5 =	rddreg [dreg:$0x0]  }
0x2: {  	s1 =	stileid.u32;
	s6 =	simm.s32 $0x1;
	s9 =	simm.s32 $0x1  }
0x3: {  	s10 =	simm.s32 $0x3;
	s13 =	simm.s32 $0x0;
	s2 =	sshll.u32 s0, $0xC  }
0x4: {  	s12 =	simm.s32 $0x0;
	s3 =	sshll.u32 s1, $0xD;
	s2 =	sand.u32 $0x1000, s2  }
0x5: {  	s0 =	rddreg [dreg:$0x1];
	_ =	strace $0x8000004D;
	s2 =	sor.u32 s3, s2  }
0x6: {  	s4 =	sadd.s32 $0xC00, s5;
	[sflag:s6] =	ssyncpa.u1 $0x0;
	s8 =	ssub.s32 $0x28000, s2  }
.Ltmp0:
0x7: {  	s3 =	sadd.s32 $0x10800, s5;
	s7 =	sand.u32 $0x1F000, s8;
	(pc) =	sbr.rel .LBB2_1-.Ltmp0, $4  }
0x8: {  	s5 =	sadd.s32 $0x5C00, s5;
	s11 =	smov.u32 s2;
	p0 =	sne.s32 s7, $0x0  }
0x9: {  	s8 =	sshrl.u32 s8, $0x11;
	s7 =	simm.s32 $0x2;
	s9 =	simm.s32 @!p0 $0x0  }
0xa: {  	[sflag:s7] =	ssyncpa.u1 $0x0;
	p0 =	por $0x0, $0x0;
	s8 =	sadd.s32 s9, s8  }
0xb: {  	vm0 =	vmmov $0xffff;
	[sflag:s10] =	ssyncpa.u1 $0x0;
	s10 =	simm.s32 $0x0;
	s9 =	sadd.s32 $0x1, s8  }
.LBB2_4:
0xc: {  	v2 =	vnsel vm1, $0x0, v2  }
0xd: {  	vm1 =	vgt.s32 v0, $0x0;
	v2 =	vmin.u32 v2, $0x270FF  }
0xe: {  	v0 =	vnsel vm1, $0x0, v0  }
0xf: {  	v0 =	vmin.u32 v0, $0x270FF  }
0x10: {  	[tilespmem:s15], [sflag:$0x1] =	stream.indirect_vreg.gather [hbm4b:s3+s10], $0x1, v1, vm0, $0x4038;
	[tilespmem:$0x4000] =	vst v63  }
0x11: {  	(ifvalue) =	ssetifvalue $0x7FFFFFFF  }
0x12: {  	[tilespmem:s16], [sflag:$0x1] =	stream.indirect_vreg.gather [hbm4b:s3+s10], $0x1, v2, vm0, $0x4038;
	[tilespmem:$0x4000] =	vst v63  }
0x13: {  	s29 =	sadd.s32 $0x10, s16;
	(ifvalue) =	ssetifvalue $0x7FFFFFFF  }
0x14: {  	[tilespmem:s29], [sflag:$0x1] =	stream.indirect_vreg.gather [hbm4b:s3+s10], $0x1, v0, vm0, $0x4038;
	[tilespmem:$0x4000] =	vst v63  }
0x15: {  	_ =	swait.ge [sflag:s6], $0x1000  }
0x16: {  	s30 =	sshrl.u32 s13, $0x3;
	[sflag:s6] =	ssyncset.done $0x0  }
0x17: {  	s31 =	sand.u32 $0x7, s13;
	s15 =	sadd.s32 s5, s30;
	[sflag:s6] =	ssyncadd.s32 $0xFFFFF000  }
0x18: {  	[hbm4b:s15+s31] =	stream.linear.scatter [tilespmem:s14], [sflag:$0x3], $0x1000, $0x38;
	[tilespmem:$0x4000] =	vst v63  }
.LBB2_5:
0x19: {  	s15 =	sadd.s32 $0x20000, s11  }
0x1a: {  	p2 =	sgt.s32 s15, $0x27FFF  }
0x1b: {  	s15 =	smov.u32 @p2 s2;
	p2 =	sne.s32 s12, s9  }
.Ltmp1:
0x1c: {  	p1 =	slt.u32 s12, $0x2;
	(pc) =	sbr.rel @!p2 .LBB2_6-.Ltmp1, $4  }
0x1d: {  	s14 =	simm.s32 @!p1 $0x3  }
0x1e: {  	s16 =	sadd.s32 $0x1, s12;
	_ =	swait.ge @!p1 [sflag:s14], $0x1000  }
0x1f: {  	s13 =	smov.u32 s11;
	p0 =	por !p0, !p0;
	[sflag:s14] =	ssyncset.done @!p1 $0x0  }
0x20: {  	s12 =	smov.u32 s16;
	s11 =	smov.u32 s15;
	[sflag:s14] =	ssyncadd.s32 @!p1 $0xFFFFF000  }
.LBB2_1:
0x21: {  	p1 =	sge.u32 s12, s8  }
0x22: {  	s14 =	sxor.u32 @!p1 $0xFFFFFFFF, s12  }
0x23: {  	s31 =	sadd.s32 $0xFFFFFFFF, s12;
	s15 =	sshrl.u32 @!p1 s11, $0x3;
	s14 =	sshll.u32 @!p1 s14, $0xC  }
0x24: {  	s16 =	sand.u32 @!p1 $0x7, s11;
	s15 =	sadd.s32 @!p1 s4, s15;
	s14 =	sand.u32 @!p1 $0x1000, s14  }
0x25: {  	[tilespmem:s14], [sflag:$0x2] =	stream.linear.gather @!p1 [hbm4b:s15+s16], $0x1000, $0x38;
	[tilespmem:$0x4000] =	vst v63  }
0x26: {  	p1 =	sge.u32 s31, s8  }
.Ltmp2:
0x27: {  	_ = 	snop;
	(pc) =	sbr.rel @p1 .LBB2_5-.Ltmp2, $1  }
0x28: {  	_ =	sdelay $0x3  }
0x29: {  	s14 =	simm.s32 $0x1  }
0x2a: {  	_ =	swait.ge [sflag:s7], $0x1000;
	s14 =	simm.s32 @!p0 $0x0  }
0x2b: {  	[sflag:s7] =	ssyncset.done $0x0;
	s14 =	sshll.u32 s14, $0xC  }
0x2c: {  	[sflag:s7] =	ssyncadd.s32 $0xFFFFF000;
	(ifvalue) =	ssetifvalue $0x7FFFFFFF;
	v0 =	vld.msk [tilespmem:s14+$0x0 ss:$0x1], $0xffff;
	_ =	sdelay $0x4  }
0x2d: {  	s15 =	sadd.s32 $0x10, s14;
	vm1 =	vgt.s32 v0, $0x0  }
0x2e: {  	v2 =	vld.msk [tilespmem:s15+$0x0 ss:$0x1], $0xffff;
	v1 =	vnsel vm1, $0x0, v0  }
0x2f: {  	v1 =	vmin.u32 v1, $0x270FF;
	_ =	sdelay $0x1  }
0x30: {  	s16 =	sshll.u32 s12, $0xC;
	s18 =	simm.s32 $0x20  }
0x31: {  	s16 =	sand.u32 $0x1000, s16;
	s17 =	sadd.s32 $0x10, s15;
	s15 =	sor.u32 $0x2000, s14  }
0x32: {  	s14 =	sor.u32 $0x2000, s16;
	s16 =	sadd.s32 $0x10, s15;
	v0 =	vld.msk [tilespmem:s17+$0x0 ss:$0x1], $0xffff;
	vm1 =	vgt.s32 v2, $0x0;
	(ifvalue) =	ssetifvalue $0x7FFFFFFF  }
.LBB2_3:
0x33: {  	[tilespmem:s15], [sflag:$0x1] =	stream.indirect_vreg.gather [hbm4b:s3+s10], $0x1, v1, vm0, $0x4038;
	[tilespmem:$0x4000] =	vst v63  }
0x34: {  	s18 =	sadd.s32 $0x10, s18  }
0x35: {  	v2 =	vnsel vm1, $0x0, v2;
	p1 =	slt.u32 s18, $0xFF0  }
.Ltmp3:
0x36: {  	s15 =	smov.u32 s16;
	v1 =	vmin.u32 v2, $0x270FF;
	(pc) =	sbr.rel @p1 .LBB2_3-.Ltmp3, $3  }
0x37: {  	_ =	sdelay $0x1  }
0x38: {  	s17 =	sadd.s32 $0x10, s17  }
0x39: {  	vm1 =	vgt.s32 v0, $0x0;
	s16 =	sadd.s32 $0x10, s16;
	v2 =	vmov v0;
	(ifvalue) =	ssetifvalue $0x7FFFFFFF;
	v0 =	vld.msk [tilespmem:s17+$0x0 ss:$0x1], $0xffff  }
.Ltmp4:
0x3a: {  	_ = 	snop;
	(pc) =	sbr.rel .LBB2_4-.Ltmp4, $1  }
0x3b: {  	_ =	sdelay $0x3  }
.LBB2_6:
0x3c: {  	_ =	sfence.sel $0x180000  }
0x3d: {  	s2 =	simm.s32 $0x2;
	[bflag:$0x0] =	sbarrier.arrive $0xFFFF  }
0x3e: {  	s30 =	simm.s32 $0x3;
	[sflag:s2] =	ssyncpa.u1 $0x1  }
0x3f: {  	s31 =	simm.s32 $0x1;
	[sflag:s30] =	ssyncpa.u1 $0x1  }
0x40: {  	[sflag:s31] =	ssyncpa.u1 $0x1  }
0x41: {  	p0 =	sne.s32 s1, $0x0;
	_ =	strace $0x9000004D  }
0x42: {  	s0 =	sadd.s32 @!p0 $0x100000, s0;
	[bflag:$0x2] =	sbarrier.arrive $0xFFFF  }
0x43: {  	[sflag:s0] =	ssyncadd.tile.s32 @!p0 $0x1;
	_ =	shalt  }
.Lfunc_end2:
_tile_overlayer_lowered:
.L_overlay_start_2:
0x44: {  	(tag) =	ssettag $0x2  }
0x45: {  	s0 =	rddreg [dreg:$0x0];
	s2 =	stileid.u32  }
0x46: {  	s1 =	rddreg [dreg:$0x1];
	p0 =	sne.s32 s2, $0x0  }
0x47: {  	s3 =	rddreg [dreg:$0x2];
	[bflag:$0x3] =	sbarrier.arrive $0xFFFF;
	s2 =	simm.s32 @!p0 $0x1C01  }
0x48: {  	[timem:s3], [sflag:s2] =	dma.local @!p0 [hbm:s0], s1  }
0x49: {  	s0 =	simm.s32 @!p0 $0x1  }
0x4a: {  	_ =	swait.ge @!p0 [sflag:s0], s1  }
0x4b: {  	s1 =	ssub.s32 @!p0 $0x0, s1;
	[sflag:s0] =	ssyncset.done @!p0 $0x0  }
0x4c: {  	[sflag:s0] =	ssyncadd.s32 @!p0 s1  }
0x4d: {  	[bflag:$0x3] =	sbarrier.arrive $0xFFFF  }
0x4e: {  	_ =	shalt  }

// kernel: kernel.5.cloned.1.call-start
scs
__scs_entry_jumppad:
0x0: {  	(pc) =	sbr.rel $0x88, $3  }
0x1: {  	(tag) =	ssettag $0x0;
	lr =	simm.s32 $0x1  }
0x2: {  	[smem:$0x3F97] =	sst lr;
	_ =	strace $0xD0000000  }
0x3: {  	_ = 	snop  }
0x4: {  	_ = 	snop  }
0x5: {  	_ = 	snop  }
0x6: {  	_ = 	snop  }
0x7: {  	_ = 	snop  }
__scs_overlays_trampoline_lowered:
0x8: {  	[smem:$0x3FA6] =	sst s0  }
0x9: {  	[smem:$0x3FA7] =	sst s1  }
0xa: {  	[smem:$0x3FA8] =	sst s2  }
0xb: {  	[smem:$0x3FA9] =	sst s3  }
0xc: {  	[smem:$0x3FAA] =	sst s4  }
0xd: {  	[smem:$0x3FAB] =	sst s5  }
0xe: {  	[smem:$0x3FAC] =	sst s6  }
0xf: {  	[smem:$0x3FAD] =	sst s7  }
0x10: {  	[smem:$0x3FAE] =	sst s8  }
0x11: {  	[smem:$0x3FAF] =	sst s9;
	s0 =	simm.s32 @!p0 $0x0  }
0x12: {  	s1 =	sld [smem:$0x3F95];
	s0 =	simm.s32 @p0 $0x1  }
0x13: {  	[smem:$0x3FB0] =	sst s0;
	s0 =	simm.s32 @!p1 $0x0  }
0x14: {  	s2 =	sld [smem:$0x3F94];
	s0 =	simm.s32 @p1 $0x1  }
0x15: {  	[smem:$0x3FB1] =	sst s0;
	s0 =	simm.s32 @!p2 $0x0  }
0x16: {  	s3 =	sld [smem:$0x3FDB];
	s0 =	simm.s32 @p2 $0x1  }
0x17: {  	s4 =	simm.s32 $0x1BF5;
	[smem:$0x3FB3] =	sst s0  }
0x18: {  	s0 =	sld [smem:$0x3F96];
	_ =	swait.ge [sflag:s4], $0x0  }
0x19: {  	s7 =	sld [smem:$0x3F97]  }
0x1a: {  	s8 =	sadd.s32 $0xFFFFE003, lr  }
0x1b: {  	s9 =	sadd.s32 $0xFFFFFEF7, lr;
	s5 =	simm.s32 $0xFFFFFFFF;
	p2 =	slt.u32 s8, $0xFFFFF086  }
0x1c: {  	p1 =	slt.u32 s9, $0xF7A;
	s5 =	simm.s32 @!p2 $0x0  }
0x1d: {  	s5 =	simm.s32 @p1 $0x1;
	p0 =	seq.s32 s7, s2  }
0x1e: {  	s7 =	smul.u32 @!p0 $0xF7A, s2;
	p2 =	seq.s32 @!p0 s5, $0x0  }
0x1f: {  	s9 =	smul.u32 $0xF7A, s1;
	s8 =	simm.s32 @!p0 $0x1BF5;
	p2 =	por !p2, p0  }
0x20: {  	[sflag:s8] =	ssyncset.s32 @!p0 $0xFFFFF086;
	s6 =	sadd.s32 @!p0 s3, s7;
	s7 =	simm.s32 @!p0 $0x108  }
0x21: {  	s3 =	sadd.s32 s3, s9;
	s6 =	sadd.s32 @!p0 $0x88, s6;
	s7 =	simm.s32 @p2 $0x1082  }
0x22: {  	[simem:s7], [sflag:s8] =	dma.local @!p0 [hbm:s6], $0xF7A  }
0x23: {  	s9 =	sor.u32 $0xD0000000, s2;
	s6 =	simm.s32 $0x108;
	_ =	swait.ge @!p0 [sflag:s8], $0x0  }
0x24: {  	s3 =	sadd.s32 $0x88, s3;
	s6 =	simm.s32 @!p1 $0x1082;
	[sflag:s4] =	ssyncset.s32 $0xFFFFF086  }
0x25: {  	[simem:s6], [sflag:s4] =	dma.local [hbm:s3], $0xF7A  }
0x26: {  	[smem:$0x3F97] =	sst s1;
	(tag) =	ssettag s2;
	_ =	strace s9  }
0x27: {  	s1 =	sld [smem:$0x3FA7]  }
0x28: {  	s2 =	sld [smem:$0x3FA8]  }
0x29: {  	s4 =	sld [smem:$0x3FAA]  }
0x2a: {  	p0 =	seq.s32 s5, $0x0;
	s5 =	sld [smem:$0x3FAB]  }
0x2b: {  	s6 =	sld [smem:$0x3FAC]  }
0x2c: {  	s7 =	sld [smem:$0x3FAD]  }
0x2d: {  	s3 =	simm.s32 $0x108;
	s8 =	sld [smem:$0x3FAE]  }
0x2e: {  	s3 =	simm.s32 @!p0 $0x1082;
	s9 =	sld [smem:$0x3FAF]  }
0x2f: {  	lr =	sadd.s32 s0, s3;
	s0 =	sld [smem:$0x3FA6]  }
0x30: {  	s3 =	sld [smem:$0x3FA9]  }
0x31: {  	[smem:$0x3FB2] =	sst s10  }
0x32: {  	s10 =	sld [smem:$0x3FB0];
	_ =	sdelay $0x3  }
0x33: {  	p0 =	seq.s32 s10, $0x1;
	s10 =	sld [smem:$0x3FB2];
	_ =	sdelay $0x3  }
0x34: {  	[smem:$0x3FB2] =	sst s10  }
0x35: {  	s10 =	sld [smem:$0x3FB1];
	_ =	sdelay $0x3  }
0x36: {  	p1 =	seq.s32 s10, $0x1;
	s10 =	sld [smem:$0x3FB2];
	_ =	sdelay $0x3  }
0x37: {  	[smem:$0x3FB2] =	sst s10  }
0x38: {  	s10 =	sld [smem:$0x3FB3]  }
0x39: {  	_ = 	snop;
	(pc) =	sbr.ind lr, $3  }
0x3a: {  	_ = 	snop  }
0x3b: {  	_ = 	snop  }
0x3c: {  	p2 =	seq.s32 s10, $0x1;
	s10 =	sld [smem:$0x3FB2]  }
0x3d: {  	_ =	shalt  }
0x3e: {  	_ =	shalt  }
0x3f: {  	_ =	shalt  }
0x40: {  	_ =	shalt  }
0x41: {  	_ =	shalt  }
0x42: {  	_ =	shalt  }
0x43: {  	_ =	shalt  }
0x44: {  	_ =	shalt  }
0x45: {  	_ =	shalt  }
0x46: {  	_ =	shalt  }
0x47: {  	_ =	shalt  }
0x48: {  	_ =	shalt  }
0x49: {  	_ =	shalt  }
0x4a: {  	_ =	shalt  }
0x4b: {  	_ =	shalt  }
0x4c: {  	_ =	shalt  }
0x4d: {  	_ =	shalt  }
0x4e: {  	_ =	shalt  }
0x4f: {  	_ =	shalt  }
0x50: {  	_ =	shalt  }
0x51: {  	_ =	shalt  }
0x52: {  	_ =	shalt  }
0x53: {  	_ =	shalt  }
0x54: {  	_ =	shalt  }
0x55: {  	_ =	shalt  }
0x56: {  	_ =	shalt  }
0x57: {  	_ =	shalt  }
0x58: {  	_ =	shalt  }
0x59: {  	_ =	shalt  }
0x5a: {  	_ =	shalt  }
0x5b: {  	_ =	shalt  }
0x5c: {  	_ =	shalt  }
0x5d: {  	_ =	shalt  }
0x5e: {  	_ =	shalt  }
0x5f: {  	_ =	shalt  }
0x60: {  	_ =	shalt  }
0x61: {  	_ =	shalt  }
0x62: {  	_ =	shalt  }
0x63: {  	_ =	shalt  }
0x64: {  	_ =	shalt  }
0x65: {  	_ =	shalt  }
0x66: {  	_ =	shalt  }
0x67: {  	_ =	shalt  }
0x68: {  	_ =	shalt  }
0x69: {  	_ =	shalt  }
0x6a: {  	_ =	shalt  }
0x6b: {  	_ =	shalt  }
0x6c: {  	_ =	shalt  }
0x6d: {  	_ =	shalt  }
0x6e: {  	_ =	shalt  }
0x6f: {  	_ =	shalt  }
0x70: {  	_ =	shalt  }
0x71: {  	_ =	shalt  }
0x72: {  	_ =	shalt  }
0x73: {  	_ =	shalt  }
0x74: {  	_ =	shalt  }
0x75: {  	_ =	shalt  }
0x76: {  	_ =	shalt  }
0x77: {  	_ =	shalt  }
0x78: {  	_ =	shalt  }
0x79: {  	_ =	shalt  }
0x7a: {  	_ =	shalt  }
0x7b: {  	_ =	shalt  }
0x7c: {  	_ =	shalt  }
0x7d: {  	_ =	shalt  }
0x7e: {  	_ =	shalt  }
0x7f: {  	_ =	shalt  }
0x80: {  	_ =	shalt  }
0x81: {  	_ =	shalt  }
0x82: {  	_ =	shalt  }
0x83: {  	_ =	shalt  }
0x84: {  	_ =	shalt  }
0x85: {  	_ =	shalt  }
0x86: {  	_ =	shalt  }
0x87: {  	_ =	shalt  }
.Lfunc_end0:
.L_simem_size_0:
called_computation.3_lowered:
.L_overlay_start_0:
0x88: {  	s2 =	sld [smem:$0x3FD9]  }
0x89: {  	s3 =	sld [smem:$0x3FFE];
	_ =	sdelay $0x1  }
0x8a: {  	s1 =	srdreg.scid  }
0x8b: {  	s0 =	sand.u32 $0x1, s1  }
0x8c: {  	s17 =	sshll.u32 s0, $0xA;
	s2 =	sadd.s32 s3, s2  }
0x8d: {  	s2 =	sadd.s32 s2, s17  }
0x8e: {  	[smem:$0x3FBE] =	sst s2  }
0x8f: {  	_ = 	snop  }
0x90: {  	s2 =	sld [smem:$0x3FD0];
	(tm) =	ssettm $0x1  }
0x91: {  	s18 =	sld [smem:$0x3FFB];
	_ =	sdelay $0x3  }
0x92: {  	_ =	strace s18  }
0x93: {  	s3 =	sld [smem:$0x3FFC];
	_ =	sdelay $0x3  }
0x94: {  	_ =	strace s3  }
0x95: {  	s3 =	sld [smem:$0x3FFD];
	_ =	sdelay $0x3  }
0x96: {  	_ =	strace s3  }
0x97: {  	_ =	strace $0x8FFFFFFF  }
0x98: {  	s19 =	sld [smem:$0x3FDB];
	_ =	sdelay $0x1  }
0x99: {  	s4 =	simm.s32 $_scs_section_size  }
0x9a: {  	s5 =	simm.s32 $_size__tile_overlayer_lowered;
	s6 =	simm.s32 $_tile_overlayer_lowered  }
0x9b: {  	s22 =	simm.s32 $0x1BFF;
	s21 =	sshll.u32 s6, $0x1;
	s3 =	sadd.s32 s4, s19  }
0x9c: {  	s7 =	simm.s32 $0x0;
	s20 =	sshll.u32 s5, $0x1;
	s5 =	sadd.s32 s21, s3  }
0x9d: {  	[timem:s7], [sflag:s22] =	dma.local [hbm:s5], s20  }
0x9e: {  	_ =	swait.ge [sflag:s22], s20  }
0x9f: {  	s4 =	ssub.s32 $0x0, s20;
	[sflag:s22] =	ssyncset.done $0x0  }
0xa0: {  	[sflag:s22] =	ssyncadd.s32 s4;
	_ =	sdelay $0x1  }
0xa1: {  	s23 =	simm.s32 $0x1B8B  }
0xa2: {  	_ =	swait.ge [sflag:s23], $0x1  }
0xa3: {  	[sflag:s23] =	ssyncset.done $0x0  }
0xa4: {  	s25 =	simm.s32 $0x1B8E;
	s24 =	sld [smem:$0x3FFE];
	[sflag:s23] =	ssyncadd.s32 $0xFFFFFFFF  }
0xa5: {  	s26 =	simm.s32 $execute0_lowered;
	[smem:$0x3FD2] =	sst s25  }
0xa6: {  	s5 =	sshll.u32 s26, $0x1;
	_ =	strace $0x8000004F;
	[dreg:$0x1] =	wrdreg $0xFFFFFFFF  }
0xa7: {  	s28 =	simm.s32 $_size_execute0_lowered;
	s3 =	sadd.s32 s3, s5;
	[dreg:$0x0] =	wrdreg $0x0  }
0xa8: {  	s5 =	sshll.u32 s28, $0x1;
	[dreg:$0x2] =	wrdreg s3  }
0xa9: {  	[dreg:$0x3] =	wrdreg s5  }
0xaa: {  	[dreg:$0x4] =	wrdreg $0xC0  }
0xab: {  	_ =	task [dreg:s7], $0x5FFFF  }
0xac: {  	[dreg:$0x1] =	wrdreg $0xFFFFFFFF  }
0xad: {  	[dreg:$0x0] =	wrdreg $0x60  }
0xae: {  	[dreg:$0x2] =	wrdreg s2  }
0xaf: {  	[dreg:$0x3] =	wrdreg s24  }
0xb0: {  	[dreg:$0x4] =	wrdreg $0x9  }
0xb1: {  	_ =	task.clear_ibuf [dreg:s7], $0x5FFFF;
	_ =	strace $0x9000004F  }
0xb2: {  	s29 =	simm.s32 $0x9;
	_ =	strace $0x80000051  }
0xb3: {  	_ =	swait.ge [sflag:s29], $0x1  }
0xb4: {  	[sflag:s29] =	ssyncadd.s32 $0xFFFFFFFF  }
0xb5: {  	_ =	strace $0x90000051  }
0xb6: {  	_ =	sfence  }
0xb7: {  	s30 =	sld [smem:$0x0];
	_ =	sdelay $0x2  }
0xb8: {  	s31 =	sshll.u32 s1, $0xD;
	s1 =	sshrl.u32 s1, $0x2  }
0xb9: {  	s3 =	sand.u32 $0x4000, s31;
	s1 =	sadd.s32 s1, s30  }
0xba: {  	s0 =	sor.u32 s3, s0;
	s1 =	sshll.u32 s1, $0x11  }
0xbb: {  	s0 =	sor.u32 s1, s0  }
0xbc: {  	s0 =	sadd.s32 $0x8F2B, s0  }
0xbd: {  	[sflag:s0] =	ssyncadd.remote.s32 $0x1  }
0xbe: {  	_ =	sfence.sel $0xFFFF  }
0xbf: {  	[dreg:$0x0] =	wrdreg $0xFFFFFFFF;
	(pc) =	sbr.abs _section_cstart, $3  }
0xc0: {  	[dreg:$0x1] =	wrdreg $0xFFFFFFFF  }
0xc1: {  	_ =	task.clear_ibuf [dreg:s7], $0x2FFFF;
	_ =	strace $0x9FFFFFFF  }
0xc2: {  	(tm) =	ssettm $0x7FFFFFFF  }
0xc3: {  	_ =	shalt  }
tec
execute0_lowered:
.L_overlay_start_1:
0x0: {  	(tag) =	ssettag $0x1  }
0x1: {  	s2 =	rddreg [dreg:$0x0]  }
0x2: {  	s4 =	rddreg [dreg:$0x1]  }
0x3: {  	s0 =	rddreg [dreg:$0x2];
	s1 =	stileid.u32  }
0x4: {  	s5 =	srdreg.scid;
	s3 =	simm.s32 $0x0;
	s6 =	smul.u32 $0x2800, s1  }
0x5: {  	s10 =	simm.s32 $0x0;
	s5 =	sand.u32 $0x1, s5;
	s8 =	smul.u32 $0x28000, s1  }
0x6: {  	[smem:$0x7FF] =	sst s3;
	s7 =	smul.u32 $0x1400, s5;
	s9 =	ssub.s32 $0x2, s5  }
0x7: {  	_ =	strace $0x80000050;
	s5 =	smul.u32 $0x14000, s5;
	s31 =	sshrl.u32 s9, $0x1  }
0x8: {  	s8 =	sadd.s32 s8, s4;
	s6 =	sadd.s32 s7, s6;
	s7 =	ssub.s32 s9, s31  }
0x9: {  	s5 =	sadd.s32 s5, s8;
	s8 =	simm.s32 $0x80;
	s6 =	sshrl.u32 s6, $0x3  }
0xa: {  	s9 =	simm.s32 $0x1;
	s5 =	sadd.s32 $0x19600, s5;
	s6 =	sadd.s32 s6, s4  }
0xb: {  	s4 =	smax.u32 s7, $0x1;
	s7 =	simm.s32 $0x2;
	s6 =	sadd.s32 $0x5C00, s6  }
.LBB2_1:
0xc: {  	s11 =	sadd.s32 $0x0, s6  }
0xd: {  	[tilespmem:s3], [sflag:$0x2] =	stream.linear.gather [hbm4b:s11+s3], $0x80, $0x38;
	[tilespmem:$0x4080] =	vst v63  }
0xe: {  	_ =	swait.ge [sflag:s7], $0x80  }
0xf: {  	[sflag:s7] =	ssyncset.done $0x0  }
0x10: {  	[sflag:s7] =	ssyncadd.s32 $0xFFFFFF80  }
0x11: {  	[tilespmem:s8], [sflag:$0x1] =	stream.indirect.gather [hbm4b:s2+s8], $0x80, s3, s8, $0xb8;
	[tilespmem:$0x4080] =	vst v63  }
0x12: {  	_ =	swait.ge [sflag:s9], $0x4000  }
0x13: {  	[sflag:s9] =	ssyncset.done $0x0  }
0x14: {  	[sflag:s9] =	ssyncadd.s32 $0xFFFFC000  }
0x15: {  	[hbm4b:s5+s3] =	stream.linear.scatter [tilespmem:s8], [sflag:$0x2], $0x4000, $0x38;
	[tilespmem:$0x4080] =	vst v63  }
0x16: {  	s12 =	simm.s32 $0x10;
	_ =	swait.ge [sflag:s7], $0x4000  }
0x17: {  	s13 =	simm.s32 $0x20;
	s11 =	sadd.s32 $0x800, s5;
	[sflag:s7] =	ssyncset.done $0x0  }
.LBB2_2:
0x18: {  	s14 =	sadd.s32 s12, s6  }
0x19: {  	[sflag:s7] =	ssyncadd.s32 $0xFFFFC000;
	s12 =	smov.u32 s13;
	s15 =	sadd.s32 $0x10, s13  }
0x1a: {  	[tilespmem:s3], [sflag:$0x2] =	stream.linear.gather [hbm4b:s14+s3], $0x80, $0x38;
	[tilespmem:$0x4080] =	vst v63  }
0x1b: {  	p0 =	sne.s32 s13, $0x270;
	_ =	swait.ge [sflag:s7], $0x80  }
0x1c: {  	[sflag:s7] =	ssyncset.done $0x0  }
0x1d: {  	[sflag:s7] =	ssyncadd.s32 $0xFFFFFF80  }
0x1e: {  	[tilespmem:s8], [sflag:$0x1] =	stream.indirect.gather [hbm4b:s2+s8], $0x80, s3, s8, $0xb8;
	[tilespmem:$0x4080] =	vst v63  }
0x1f: {  	_ =	swait.ge [sflag:s9], $0x4000  }
.Ltmp0:
0x20: {  	[sflag:s9] =	ssyncset.done $0x0;
	(pc) =	sbr.rel @p0 .LBB2_2-.Ltmp0, $4  }
0x21: {  	[sflag:s9] =	ssyncadd.s32 $0xFFFFC000  }
0x22: {  	[hbm4b:s11+s3] =	stream.linear.scatter [tilespmem:s8], [sflag:$0x2], $0x4000, $0x38;
	[tilespmem:$0x4080] =	vst v63  }
0x23: {  	_ =	swait.ge [sflag:s7], $0x4000  }
0x24: {  	s13 =	smov.u32 s15;
	s11 =	sadd.s32 $0x800, s11;
	[sflag:s7] =	ssyncset.done $0x0  }
0x25: {  	s12 =	sadd.s32 s12, s6;
	[sflag:s7] =	ssyncadd.s32 $0xFFFFC000  }
0x26: {  	[tilespmem:s3], [sflag:$0x2] =	stream.linear.gather [hbm4b:s12+s3], $0x80, $0x38;
	[tilespmem:$0x4080] =	vst v63  }
0x27: {  	_ =	swait.ge [sflag:s7], $0x80  }
0x28: {  	[sflag:s7] =	ssyncset.done $0x0  }
0x29: {  	[sflag:s7] =	ssyncadd.s32 $0xFFFFFF80  }
0x2a: {  	[tilespmem:s8], [sflag:$0x1] =	stream.indirect.gather [hbm4b:s2+s8], $0x80, s3, s8, $0xb8;
	[tilespmem:$0x4080] =	vst v63  }
0x2b: {  	s10 =	sadd.s32 $0x1, s10;
	_ =	swait.ge [sflag:s9], $0x4000  }
0x2c: {  	p0 =	sne.s32 s10, s4;
	[sflag:s9] =	ssyncset.done $0x0  }
.Ltmp1:
0x2d: {  	[sflag:s9] =	ssyncadd.s32 $0xFFFFC000;
	(pc) =	sbr.rel @p0 .LBB2_1-.Ltmp1, $4  }
0x2e: {  	[hbm4b:s11+s3] =	stream.linear.scatter [tilespmem:s8], [sflag:$0x2], $0x4000, $0x38;
	[tilespmem:$0x4080] =	vst v63  }
0x2f: {  	_ =	swait.ge [sflag:s7], $0x4000  }
0x30: {  	[sflag:s7] =	ssyncset.done $0x0  }
0x31: {  	[sflag:s7] =	ssyncadd.s32 $0xFFFFC000  }
0x32: {  	_ =	sfence.sel $0x180000  }
0x33: {  	[bflag:$0x0] =	sbarrier.arrive $0xFFFF  }
0x34: {  	p0 =	sne.s32 s1, $0x0;
	_ =	strace $0x90000050  }
0x35: {  	s0 =	sadd.s32 @!p0 $0x100000, s0;
	[bflag:$0x2] =	sbarrier.arrive $0xFFFF  }
0x36: {  	[sflag:s0] =	ssyncadd.tile.s32 @!p0 $0x1;
	_ =	shalt  }
.Lfunc_end2:
_tile_overlayer_lowered:
.L_overlay_start_2:
0x37: {  	(tag) =	ssettag $0x2  }
0x38: {  	s0 =	rddreg [dreg:$0x0];
	s2 =	stileid.u32  }
0x39: {  	s1 =	rddreg [dreg:$0x1];
	p0 =	sne.s32 s2, $0x0  }
0x3a: {  	s3 =	rddreg [dreg:$0x2];
	[bflag:$0x3] =	sbarrier.arrive $0xFFFF;
	s2 =	simm.s32 @!p0 $0x1C02  }
0x3b: {  	[timem:s3], [sflag:s2] =	dma.local @!p0 [hbm:s0], s1  }
0x3c: {  	s0 =	simm.s32 @!p0 $0x2  }
0x3d: {  	_ =	swait.ge @!p0 [sflag:s0], s1  }
0x3e: {  	s1 =	ssub.s32 @!p0 $0x0, s1;
	[sflag:s0] =	ssyncset.done @!p0 $0x0  }
0x3f: {  	[sflag:s0] =	ssyncadd.s32 @!p0 s1  }
0x40: {  	[bflag:$0x3] =	sbarrier.arrive $0xFFFF  }
0x41: {  	_ =	shalt  }

// kernel: kernel.8.cloned.1.call-start
scs
__scs_entry_jumppad:
0x0: {  	(pc) =	sbr.rel $0x88, $3  }
0x1: {  	(tag) =	ssettag $0x0;
	lr =	simm.s32 $0x1  }
0x2: {  	[smem:$0x3F97] =	sst lr;
	_ =	strace $0xD0000000  }
0x3: {  	_ = 	snop  }
0x4: {  	_ = 	snop  }
0x5: {  	_ = 	snop  }
0x6: {  	_ = 	snop  }
0x7: {  	_ = 	snop  }
__scs_overlays_trampoline_lowered:
0x8: {  	[smem:$0x3FA6] =	sst s0  }
0x9: {  	[smem:$0x3FA7] =	sst s1  }
0xa: {  	[smem:$0x3FA8] =	sst s2  }
0xb: {  	[smem:$0x3FA9] =	sst s3  }
0xc: {  	[smem:$0x3FAA] =	sst s4  }
0xd: {  	[smem:$0x3FAB] =	sst s5  }
0xe: {  	[smem:$0x3FAC] =	sst s6  }
0xf: {  	[smem:$0x3FAD] =	sst s7  }
0x10: {  	[smem:$0x3FAE] =	sst s8  }
0x11: {  	[smem:$0x3FAF] =	sst s9;
	s0 =	simm.s32 @!p0 $0x0  }
0x12: {  	s1 =	sld [smem:$0x3F95];
	s0 =	simm.s32 @p0 $0x1  }
0x13: {  	[smem:$0x3FB0] =	sst s0;
	s0 =	simm.s32 @!p1 $0x0  }
0x14: {  	s2 =	sld [smem:$0x3F94];
	s0 =	simm.s32 @p1 $0x1  }
0x15: {  	[smem:$0x3FB1] =	sst s0;
	s0 =	simm.s32 @!p2 $0x0  }
0x16: {  	s3 =	sld [smem:$0x3FDB];
	s0 =	simm.s32 @p2 $0x1  }
0x17: {  	s4 =	simm.s32 $0x1BF5;
	[smem:$0x3FB3] =	sst s0  }
0x18: {  	s0 =	sld [smem:$0x3F96];
	_ =	swait.ge [sflag:s4], $0x0  }
0x19: {  	s7 =	sld [smem:$0x3F97]  }
0x1a: {  	s8 =	sadd.s32 $0xFFFFE003, lr  }
0x1b: {  	s9 =	sadd.s32 $0xFFFFFEF7, lr;
	s5 =	simm.s32 $0xFFFFFFFF;
	p2 =	slt.u32 s8, $0xFFFFF086  }
0x1c: {  	p1 =	slt.u32 s9, $0xF7A;
	s5 =	simm.s32 @!p2 $0x0  }
0x1d: {  	s5 =	simm.s32 @p1 $0x1;
	p0 =	seq.s32 s7, s2  }
0x1e: {  	s7 =	smul.u32 @!p0 $0xF7A, s2;
	p2 =	seq.s32 @!p0 s5, $0x0  }
0x1f: {  	s9 =	smul.u32 $0xF7A, s1;
	s8 =	simm.s32 @!p0 $0x1BF5;
	p2 =	por !p2, p0  }
0x20: {  	[sflag:s8] =	ssyncset.s32 @!p0 $0xFFFFF086;
	s6 =	sadd.s32 @!p0 s3, s7;
	s7 =	simm.s32 @!p0 $0x108  }
0x21: {  	s3 =	sadd.s32 s3, s9;
	s6 =	sadd.s32 @!p0 $0x88, s6;
	s7 =	simm.s32 @p2 $0x1082  }
0x22: {  	[simem:s7], [sflag:s8] =	dma.local @!p0 [hbm:s6], $0xF7A  }
0x23: {  	s9 =	sor.u32 $0xD0000000, s2;
	s6 =	simm.s32 $0x108;
	_ =	swait.ge @!p0 [sflag:s8], $0x0  }
0x24: {  	s3 =	sadd.s32 $0x88, s3;
	s6 =	simm.s32 @!p1 $0x1082;
	[sflag:s4] =	ssyncset.s32 $0xFFFFF086  }
0x25: {  	[simem:s6], [sflag:s4] =	dma.local [hbm:s3], $0xF7A  }
0x26: {  	[smem:$0x3F97] =	sst s1;
	(tag) =	ssettag s2;
	_ =	strace s9  }
0x27: {  	s1 =	sld [smem:$0x3FA7]  }
0x28: {  	s2 =	sld [smem:$0x3FA8]  }
0x29: {  	s4 =	sld [smem:$0x3FAA]  }
0x2a: {  	p0 =	seq.s32 s5, $0x0;
	s5 =	sld [smem:$0x3FAB]  }
0x2b: {  	s6 =	sld [smem:$0x3FAC]  }
0x2c: {  	s7 =	sld [smem:$0x3FAD]  }
0x2d: {  	s3 =	simm.s32 $0x108;
	s8 =	sld [smem:$0x3FAE]  }
0x2e: {  	s3 =	simm.s32 @!p0 $0x1082;
	s9 =	sld [smem:$0x3FAF]  }
0x2f: {  	lr =	sadd.s32 s0, s3;
	s0 =	sld [smem:$0x3FA6]  }
0x30: {  	s3 =	sld [smem:$0x3FA9]  }
0x31: {  	[smem:$0x3FB2] =	sst s10  }
0x32: {  	s10 =	sld [smem:$0x3FB0];
	_ =	sdelay $0x3  }
0x33: {  	p0 =	seq.s32 s10, $0x1;
	s10 =	sld [smem:$0x3FB2];
	_ =	sdelay $0x3  }
0x34: {  	[smem:$0x3FB2] =	sst s10  }
0x35: {  	s10 =	sld [smem:$0x3FB1];
	_ =	sdelay $0x3  }
0x36: {  	p1 =	seq.s32 s10, $0x1;
	s10 =	sld [smem:$0x3FB2];
	_ =	sdelay $0x3  }
0x37: {  	[smem:$0x3FB2] =	sst s10  }
0x38: {  	s10 =	sld [smem:$0x3FB3]  }
0x39: {  	_ = 	snop;
	(pc) =	sbr.ind lr, $3  }
0x3a: {  	_ = 	snop  }
0x3b: {  	_ = 	snop  }
0x3c: {  	p2 =	seq.s32 s10, $0x1;
	s10 =	sld [smem:$0x3FB2]  }
0x3d: {  	_ =	shalt  }
0x3e: {  	_ =	shalt  }
0x3f: {  	_ =	shalt  }
0x40: {  	_ =	shalt  }
0x41: {  	_ =	shalt  }
0x42: {  	_ =	shalt  }
0x43: {  	_ =	shalt  }
0x44: {  	_ =	shalt  }
0x45: {  	_ =	shalt  }
0x46: {  	_ =	shalt  }
0x47: {  	_ =	shalt  }
0x48: {  	_ =	shalt  }
0x49: {  	_ =	shalt  }
0x4a: {  	_ =	shalt  }
0x4b: {  	_ =	shalt  }
0x4c: {  	_ =	shalt  }
0x4d: {  	_ =	shalt  }
0x4e: {  	_ =	shalt  }
0x4f: {  	_ =	shalt  }
0x50: {  	_ =	shalt  }
0x51: {  	_ =	shalt  }
0x52: {  	_ =	shalt  }
0x53: {  	_ =	shalt  }
0x54: {  	_ =	shalt  }
0x55: {  	_ =	shalt  }
0x56: {  	_ =	shalt  }
0x57: {  	_ =	shalt  }
0x58: {  	_ =	shalt  }
0x59: {  	_ =	shalt  }
0x5a: {  	_ =	shalt  }
0x5b: {  	_ =	shalt  }
0x5c: {  	_ =	shalt  }
0x5d: {  	_ =	shalt  }
0x5e: {  	_ =	shalt  }
0x5f: {  	_ =	shalt  }
0x60: {  	_ =	shalt  }
0x61: {  	_ =	shalt  }
0x62: {  	_ =	shalt  }
0x63: {  	_ =	shalt  }
0x64: {  	_ =	shalt  }
0x65: {  	_ =	shalt  }
0x66: {  	_ =	shalt  }
0x67: {  	_ =	shalt  }
0x68: {  	_ =	shalt  }
0x69: {  	_ =	shalt  }
0x6a: {  	_ =	shalt  }
0x6b: {  	_ =	shalt  }
0x6c: {  	_ =	shalt  }
0x6d: {  	_ =	shalt  }
0x6e: {  	_ =	shalt  }
0x6f: {  	_ =	shalt  }
0x70: {  	_ =	shalt  }
0x71: {  	_ =	shalt  }
0x72: {  	_ =	shalt  }
0x73: {  	_ =	shalt  }
0x74: {  	_ =	shalt  }
0x75: {  	_ =	shalt  }
0x76: {  	_ =	shalt  }
0x77: {  	_ =	shalt  }
0x78: {  	_ =	shalt  }
0x79: {  	_ =	shalt  }
0x7a: {  	_ =	shalt  }
0x7b: {  	_ =	shalt  }
0x7c: {  	_ =	shalt  }
0x7d: {  	_ =	shalt  }
0x7e: {  	_ =	shalt  }
0x7f: {  	_ =	shalt  }
0x80: {  	_ =	shalt  }
0x81: {  	_ =	shalt  }
0x82: {  	_ =	shalt  }
0x83: {  	_ =	shalt  }
0x84: {  	_ =	shalt  }
0x85: {  	_ =	shalt  }
0x86: {  	_ =	shalt  }
0x87: {  	_ =	shalt  }
.Lfunc_end0:
.L_simem_size_0:
called_computation.4_lowered:
.L_overlay_start_0:
0x88: {  	s2 =	sld [smem:$0x3FD9]  }
0x89: {  	s3 =	sld [smem:$0x3FFE];
	_ =	sdelay $0x1  }
0x8a: {  	s1 =	srdreg.scid  }
0x8b: {  	s0 =	sand.u32 $0x1, s1  }
0x8c: {  	s16 =	sshll.u32 s0, $0xA;
	s2 =	sadd.s32 s3, s2  }
0x8d: {  	s2 =	sadd.s32 s2, s16  }
0x8e: {  	[smem:$0x3FBE] =	sst s2  }
0x8f: {  	_ = 	snop  }
0x90: {  	(tm) =	ssettm $0x1  }
0x91: {  	s17 =	sld [smem:$0x3FFB];
	_ =	sdelay $0x3  }
0x92: {  	_ =	strace s17  }
0x93: {  	s2 =	sld [smem:$0x3FFC];
	_ =	sdelay $0x3  }
0x94: {  	_ =	strace s2  }
0x95: {  	s2 =	sld [smem:$0x3FFD];
	_ =	sdelay $0x3  }
0x96: {  	_ =	strace s2  }
0x97: {  	_ =	strace $0x8FFFFFFF  }
0x98: {  	s18 =	sld [smem:$0x3FDB];
	_ =	sdelay $0x1  }
0x99: {  	s19 =	simm.s32 $_scs_section_size  }
0x9a: {  	s4 =	simm.s32 $_size__tile_overlayer_lowered;
	s5 =	simm.s32 $_tile_overlayer_lowered  }
0x9b: {  	s22 =	simm.s32 $0x1BFF;
	s21 =	sshll.u32 s5, $0x1;
	s2 =	sadd.s32 s19, s18  }
0x9c: {  	s6 =	simm.s32 $0x0;
	s20 =	sshll.u32 s4, $0x1;
	s4 =	sadd.s32 s21, s2  }
0x9d: {  	[timem:s6], [sflag:s22] =	dma.local [hbm:s4], s20  }
0x9e: {  	_ =	swait.ge [sflag:s22], s20  }
0x9f: {  	s3 =	ssub.s32 $0x0, s20;
	[sflag:s22] =	ssyncset.done $0x0  }
0xa0: {  	[sflag:s22] =	ssyncadd.s32 s3;
	_ =	sdelay $0x1  }
0xa1: {  	s23 =	simm.s32 $0x1B8B  }
0xa2: {  	_ =	swait.ge [sflag:s23], $0x1  }
0xa3: {  	[sflag:s23] =	ssyncset.done $0x0  }
0xa4: {  	s25 =	simm.s32 $0x1B8E;
	s24 =	sld [smem:$0x3FFE];
	[sflag:s23] =	ssyncadd.s32 $0xFFFFFFFF  }
0xa5: {  	s26 =	simm.s32 $execute0_lowered;
	[smem:$0x3FD2] =	sst s25  }
0xa6: {  	s4 =	sshll.u32 s26, $0x1;
	_ =	strace $0x80000052;
	[dreg:$0x1] =	wrdreg $0xFFFFFFFF  }
0xa7: {  	s28 =	simm.s32 $_size_execute0_lowered;
	s2 =	sadd.s32 s2, s4;
	[dreg:$0x0] =	wrdreg $0x0  }
0xa8: {  	s4 =	sshll.u32 s28, $0x1;
	[dreg:$0x2] =	wrdreg s2  }
0xa9: {  	[dreg:$0x3] =	wrdreg s4  }
0xaa: {  	[dreg:$0x4] =	wrdreg $0xC0  }
0xab: {  	_ =	task [dreg:s6], $0x5FFFF  }
0xac: {  	[dreg:$0x1] =	wrdreg $0xFFFFFFFF  }
0xad: {  	[dreg:$0x0] =	wrdreg $0x60  }
0xae: {  	[dreg:$0x2] =	wrdreg s24  }
0xaf: {  	[dreg:$0x3] =	wrdreg $0x9  }
0xb0: {  	_ =	task.clear_ibuf [dreg:s6], $0x4FFFF;
	_ =	strace $0x90000052  }
0xb1: {  	s29 =	simm.s32 $0x9;
	_ =	strace $0x80000054  }
0xb2: {  	_ =	swait.ge [sflag:s29], $0x1  }
0xb3: {  	[sflag:s29] =	ssyncadd.s32 $0xFFFFFFFF  }
0xb4: {  	_ =	strace $0x90000054  }
0xb5: {  	_ =	sfence  }
0xb6: {  	s30 =	sld [smem:$0x0];
	_ =	sdelay $0x2  }
0xb7: {  	s31 =	sshll.u32 s1, $0xD;
	s1 =	sshrl.u32 s1, $0x2  }
0xb8: {  	s3 =	sand.u32 $0x4000, s31;
	s1 =	sadd.s32 s1, s30  }
0xb9: {  	s0 =	sor.u32 s3, s0;
	s1 =	sshll.u32 s1, $0x11  }
0xba: {  	s0 =	sor.u32 s1, s0  }
0xbb: {  	s0 =	sadd.s32 $0x8F2B, s0  }
0xbc: {  	[sflag:s0] =	ssyncadd.remote.s32 $0x1  }
0xbd: {  	_ =	sfence.sel $0xFFFF  }
0xbe: {  	[dreg:$0x0] =	wrdreg $0xFFFFFFFF;
	(pc) =	sbr.abs _section_cstart, $3  }
0xbf: {  	[dreg:$0x1] =	wrdreg $0xFFFFFFFF  }
0xc0: {  	_ =	task.clear_ibuf [dreg:s6], $0x2FFFF;
	_ =	strace $0x9FFFFFFF  }
0xc1: {  	(tm) =	ssettm $0x7FFFFFFF  }
tec
execute0_lowered:
.L_overlay_start_1:
0x0: {  	(tag) =	ssettag $0x1  }
0x1: {  	s1 =	srdreg.scid;
	s0 =	stileid.u32  }
0x2: {  	s15 =	sand.u32 $0x1, s1;
	s28 =	sshll.u32 s0, $0x1  }
0x3: {  	s9 =	sor.u32 s15, s28  }
0x4: {  	s10 =	rddreg [dreg:$0x0];
	s14 =	smul.u32 $0x140, s9  }
0x5: {  	s2 =	simm.s32 $0x0;
	s1 =	rddreg [dreg:$0x1]  }
0x6: {  	[smem:$0x7FF] =	sst s2;
	s16 =	sadd.s32 $0x200, s10;
	s3 =	sshrl.u32 s14, $0x3  }
0x7: {  	_ =	strace $0x80000053;
	s4 =	sadd.s32 s16, s3;
	s3 =	simm.s32 $0x2  }
0x8: {  	[tilespmem:s2], [sflag:$0x2] =	stream.linear.gather [hbm4b:s4+s2], $0x50, $0x38;
	[tilespmem:$0x2880] =	vst v63  }
0x9: {  	_ =	swait.ge [sflag:s3], $0x50  }
0xa: {  	s6 =	simm.s32 $0x50;
	s7 =	simm.s32 $0x80;
	[sflag:s3] =	ssyncset.done $0x0  }
0xb: {  	s8 =	simm.s32 $0x1;
	s5 =	sadd.s32 $0x800, s10;
	[sflag:s3] =	ssyncadd.s32 $0xFFFFFFB0  }
0xc: {  	[tilespmem:s7], [sflag:$0x1] =	stream.indirect.gather [hbm4b:s5+s6], $0x80, s2, s6, $0xb8;
	[tilespmem:$0x2880] =	vst v63  }
0xd: {  	s9 =	smul.u32 $0x1400, s9;
	_ =	swait.ge [sflag:s8], $0x2800  }
0xe: {  	s17 =	sadd.s32 $0x28800, s10;
	[sflag:s8] =	ssyncset.done $0x0  }
0xf: {  	s9 =	sadd.s32 s17, s9;
	[sflag:s8] =	ssyncadd.s32 $0xFFFFD800  }
0x10: {  	[hbm4b:s9+s2] =	stream.linear.scatter [tilespmem:s7], [sflag:$0x2], $0x2800, $0x38;
	[tilespmem:$0x2880] =	vst v63  }
0x11: {  	s11 =	sadd.s32 $0x50, s14;
	_ =	swait.ge [sflag:s3], $0x2800  }
0x12: {  	s29 =	sshrl.u32 s11, $0x3;
	[sflag:s3] =	ssyncset.done $0x0  }
0x13: {  	s10 =	sadd.s32 s16, s29;
	[sflag:s3] =	ssyncadd.s32 $0xFFFFD800  }
0x14: {  	[tilespmem:s2], [sflag:$0x2] =	stream.linear.gather [hbm4b:s10+s2], $0x50, $0x38;
	[tilespmem:$0x2880] =	vst v63  }
0x15: {  	_ =	swait.ge [sflag:s3], $0x50  }
0x16: {  	[sflag:s3] =	ssyncset.done $0x0  }
0x17: {  	[sflag:s3] =	ssyncadd.s32 $0xFFFFFFB0  }
0x18: {  	[tilespmem:s7], [sflag:$0x1] =	stream.indirect.gather [hbm4b:s5+s6], $0x80, s2, s6, $0xb8;
	[tilespmem:$0x2880] =	vst v63  }
0x19: {  	_ =	swait.ge [sflag:s8], $0x2800  }
0x1a: {  	s11 =	sshll.u32 s11, $0x4;
	[sflag:s8] =	ssyncset.done $0x0  }
0x1b: {  	s11 =	sadd.s32 s17, s11;
	[sflag:s8] =	ssyncadd.s32 $0xFFFFD800  }
0x1c: {  	[hbm4b:s11+s2] =	stream.linear.scatter [tilespmem:s7], [sflag:$0x2], $0x2800, $0x38;
	[tilespmem:$0x2880] =	vst v63  }
0x1d: {  	s13 =	sadd.s32 $0xA0, s14;
	_ =	swait.ge [sflag:s3], $0x2800  }
0x1e: {  	s12 =	sshrl.u32 s13, $0x3;
	[sflag:s3] =	ssyncset.done $0x0  }
0x1f: {  	s12 =	sadd.s32 s16, s12;
	[sflag:s3] =	ssyncadd.s32 $0xFFFFD800  }
0x20: {  	[tilespmem:s2], [sflag:$0x2] =	stream.linear.gather [hbm4b:s12+s2], $0x50, $0x38;
	[tilespmem:$0x2880] =	vst v63  }
0x21: {  	_ =	swait.ge [sflag:s3], $0x50  }
0x22: {  	[sflag:s3] =	ssyncset.done $0x0  }
0x23: {  	[sflag:s3] =	ssyncadd.s32 $0xFFFFFFB0  }
0x24: {  	[tilespmem:s7], [sflag:$0x1] =	stream.indirect.gather [hbm4b:s5+s6], $0x80, s2, s6, $0xb8;
	[tilespmem:$0x2880] =	vst v63  }
0x25: {  	_ =	swait.ge [sflag:s8], $0x2800  }
0x26: {  	s13 =	sshll.u32 s13, $0x4;
	[sflag:s8] =	ssyncset.done $0x0  }
0x27: {  	s13 =	sadd.s32 s17, s13;
	[sflag:s8] =	ssyncadd.s32 $0xFFFFD800  }
0x28: {  	[hbm4b:s13+s2] =	stream.linear.scatter [tilespmem:s7], [sflag:$0x2], $0x2800, $0x38;
	[tilespmem:$0x2880] =	vst v63  }
0x29: {  	s18 =	sadd.s32 $0xF0, s14;
	_ =	swait.ge [sflag:s3], $0x2800  }
0x2a: {  	s14 =	sshrl.u32 s18, $0x3;
	[sflag:s3] =	ssyncset.done $0x0  }
0x2b: {  	s15 =	ssub.s32 $0x2, s15;
	s14 =	sadd.s32 s16, s14;
	[sflag:s3] =	ssyncadd.s32 $0xFFFFD800  }
0x2c: {  	[tilespmem:s2], [sflag:$0x2] =	stream.linear.gather [hbm4b:s14+s2], $0x50, $0x38;
	[tilespmem:$0x2880] =	vst v63  }
0x2d: {  	s30 =	sshrl.u32 s15, $0x1;
	_ =	swait.ge [sflag:s3], $0x50  }
0x2e: {  	s16 =	ssub.s32 s15, s30;
	[sflag:s3] =	ssyncset.done $0x0  }
0x2f: {  	s16 =	smax.u32 s16, $0x1;
	[sflag:s3] =	ssyncadd.s32 $0xFFFFFFB0  }
0x30: {  	[tilespmem:s7], [sflag:$0x1] =	stream.indirect.gather [hbm4b:s5+s6], $0x80, s2, s6, $0xb8;
	[tilespmem:$0x2880] =	vst v63  }
0x31: {  	p0 =	sne.s32 s16, $0x1;
	_ =	swait.ge [sflag:s8], $0x2800  }
.Ltmp0:
0x32: {  	s31 =	sshll.u32 s18, $0x4;
	[sflag:s8] =	ssyncset.done $0x0;
	(pc) =	sbr.rel @!p0 .LBB2_2-.Ltmp0, $4  }
0x33: {  	s15 =	sadd.s32 s17, s31;
	[sflag:s8] =	ssyncadd.s32 $0xFFFFD800  }
0x34: {  	[hbm4b:s15+s2] =	stream.linear.scatter [tilespmem:s7], [sflag:$0x2], $0x2800, $0x38;
	[tilespmem:$0x2880] =	vst v63  }
0x35: {  	_ =	swait.ge [sflag:s3], $0x2800  }
0x36: {  	s16 =	sadd.s32 $0xFFFFFFFF, s16;
	[sflag:s3] =	ssyncset.done $0x0  }
.LBB2_1:
0x37: {  	p0 =	sne.s32 s16, $0x1;
	s16 =	sadd.s32 $0xFFFFFFFF, s16;
	[sflag:s3] =	ssyncadd.s32 $0xFFFFD800  }
0x38: {  	[tilespmem:s2], [sflag:$0x2] =	stream.linear.gather [hbm4b:s4+s2], $0x50, $0x38;
	[tilespmem:$0x2880] =	vst v63  }
0x39: {  	_ =	swait.ge [sflag:s3], $0x50  }
0x3a: {  	[sflag:s3] =	ssyncset.done $0x0  }
0x3b: {  	[sflag:s3] =	ssyncadd.s32 $0xFFFFFFB0  }
0x3c: {  	[tilespmem:s7], [sflag:$0x1] =	stream.indirect.gather [hbm4b:s5+s6], $0x80, s2, s6, $0xb8;
	[tilespmem:$0x2880] =	vst v63  }
0x3d: {  	_ =	swait.ge [sflag:s8], $0x2800  }
0x3e: {  	[sflag:s8] =	ssyncset.done $0x0  }
0x3f: {  	[sflag:s8] =	ssyncadd.s32 $0xFFFFD800  }
0x40: {  	[hbm4b:s9+s2] =	stream.linear.scatter [tilespmem:s7], [sflag:$0x2], $0x2800, $0x38;
	[tilespmem:$0x2880] =	vst v63  }
0x41: {  	_ =	swait.ge [sflag:s3], $0x2800  }
0x42: {  	[sflag:s3] =	ssyncset.done $0x0  }
0x43: {  	[sflag:s3] =	ssyncadd.s32 $0xFFFFD800  }
0x44: {  	[tilespmem:s2], [sflag:$0x2] =	stream.linear.gather [hbm4b:s10+s2], $0x50, $0x38;
	[tilespmem:$0x2880] =	vst v63  }
0x45: {  	_ =	swait.ge [sflag:s3], $0x50  }
0x46: {  	[sflag:s3] =	ssyncset.done $0x0  }
0x47: {  	[sflag:s3] =	ssyncadd.s32 $0xFFFFFFB0  }
0x48: {  	[tilespmem:s7], [sflag:$0x1] =	stream.indirect.gather [hbm4b:s5+s6], $0x80, s2, s6, $0xb8;
	[tilespmem:$0x2880] =	vst v63  }
0x49: {  	_ =	swait.ge [sflag:s8], $0x2800  }
0x4a: {  	[sflag:s8] =	ssyncset.done $0x0  }
0x4b: {  	[sflag:s8] =	ssyncadd.s32 $0xFFFFD800  }
0x4c: {  	[hbm4b:s11+s2] =	stream.linear.scatter [tilespmem:s7], [sflag:$0x2], $0x2800, $0x38;
	[tilespmem:$0x2880] =	vst v63  }
0x4d: {  	_ =	swait.ge [sflag:s3], $0x2800  }
0x4e: {  	[sflag:s3] =	ssyncset.done $0x0  }
0x4f: {  	[sflag:s3] =	ssyncadd.s32 $0xFFFFD800  }
0x50: {  	[tilespmem:s2], [sflag:$0x2] =	stream.linear.gather [hbm4b:s12+s2], $0x50, $0x38;
	[tilespmem:$0x2880] =	vst v63  }
0x51: {  	_ =	swait.ge [sflag:s3], $0x50  }
0x52: {  	[sflag:s3] =	ssyncset.done $0x0  }
0x53: {  	[sflag:s3] =	ssyncadd.s32 $0xFFFFFFB0  }
0x54: {  	[tilespmem:s7], [sflag:$0x1] =	stream.indirect.gather [hbm4b:s5+s6], $0x80, s2, s6, $0xb8;
	[tilespmem:$0x2880] =	vst v63  }
0x55: {  	_ =	swait.ge [sflag:s8], $0x2800  }
0x56: {  	[sflag:s8] =	ssyncset.done $0x0  }
0x57: {  	[sflag:s8] =	ssyncadd.s32 $0xFFFFD800  }
0x58: {  	[hbm4b:s13+s2] =	stream.linear.scatter [tilespmem:s7], [sflag:$0x2], $0x2800, $0x38;
	[tilespmem:$0x2880] =	vst v63  }
0x59: {  	_ =	swait.ge [sflag:s3], $0x2800  }
0x5a: {  	[sflag:s3] =	ssyncset.done $0x0  }
0x5b: {  	[sflag:s3] =	ssyncadd.s32 $0xFFFFD800  }
0x5c: {  	[tilespmem:s2], [sflag:$0x2] =	stream.linear.gather [hbm4b:s14+s2], $0x50, $0x38;
	[tilespmem:$0x2880] =	vst v63  }
0x5d: {  	_ =	swait.ge [sflag:s3], $0x50  }
0x5e: {  	[sflag:s3] =	ssyncset.done $0x0  }
0x5f: {  	[sflag:s3] =	ssyncadd.s32 $0xFFFFFFB0  }
0x60: {  	[tilespmem:s7], [sflag:$0x1] =	stream.indirect.gather [hbm4b:s5+s6], $0x80, s2, s6, $0xb8;
	[tilespmem:$0x2880] =	vst v63  }
0x61: {  	_ =	swait.ge [sflag:s8], $0x2800  }
.Ltmp1:
0x62: {  	[sflag:s8] =	ssyncset.done $0x0;
	(pc) =	sbr.rel @p0 .LBB2_1-.Ltmp1, $4  }
0x63: {  	[sflag:s8] =	ssyncadd.s32 $0xFFFFD800  }
0x64: {  	[hbm4b:s15+s2] =	stream.linear.scatter [tilespmem:s7], [sflag:$0x2], $0x2800, $0x38;
	[tilespmem:$0x2880] =	vst v63  }
0x65: {  	_ =	swait.ge [sflag:s3], $0x2800  }
0x66: {  	[sflag:s3] =	ssyncset.done $0x0  }
.LBB2_2:
0x67: {  	[sflag:s3] =	ssyncadd.s32 $0xFFFFD800  }
0x68: {  	_ =	sfence.sel $0x180000  }
0x69: {  	[bflag:$0x0] =	sbarrier.arrive $0xFFFF  }
0x6a: {  	p0 =	sne.s32 s0, $0x0;
	_ =	strace $0x90000053  }
0x6b: {  	s0 =	sadd.s32 @!p0 $0x100000, s1;
	[bflag:$0x2] =	sbarrier.arrive $0xFFFF  }
0x6c: {  	[sflag:s0] =	ssyncadd.tile.s32 @!p0 $0x1;
	_ =	shalt  }
.Lfunc_end2:
_tile_overlayer_lowered:
.L_overlay_start_2:
0x6d: {  	(tag) =	ssettag $0x2  }
0x6e: {  	s0 =	rddreg [dreg:$0x0];
	s2 =	stileid.u32  }
0x6f: {  	s1 =	rddreg [dreg:$0x1];
	p0 =	sne.s32 s2, $0x0  }
0x70: {  	s3 =	rddreg [dreg:$0x2];
	[bflag:$0x3] =	sbarrier.arrive $0xFFFF;
	s2 =	simm.s32 @!p0 $0x1C02  }
0x71: {  	[timem:s3], [sflag:s2] =	dma.local @!p0 [hbm:s0], s1  }
0x72: {  	s0 =	simm.s32 @!p0 $0x2  }
0x73: {  	_ =	swait.ge @!p0 [sflag:s0], s1  }
0x74: {  	s1 =	ssub.s32 @!p0 $0x0, s1;
	[sflag:s0] =	ssyncset.done @!p0 $0x0  }
0x75: {  	[sflag:s0] =	ssyncadd.s32 @!p0 s1  }
0x76: {  	[bflag:$0x3] =	sbarrier.arrive $0xFFFF  }
0x77: {  	_ =	shalt  }

// kernel: scatter_offload_async_start.1
scs
__scs_entry_jumppad:
0x0: {  	(pc) =	sbr.rel $0x88, $3  }
0x1: {  	(tag) =	ssettag $0x0;
	lr =	simm.s32 $0x1  }
0x2: {  	[smem:$0x3F97] =	sst lr;
	_ =	strace $0xD0000000  }
0x3: {  	_ = 	snop  }
0x4: {  	_ = 	snop  }
0x5: {  	_ = 	snop  }
0x6: {  	_ = 	snop  }
0x7: {  	_ = 	snop  }
__scs_overlays_trampoline_lowered:
0x8: {  	[smem:$0x3FA6] =	sst s0  }
0x9: {  	[smem:$0x3FA7] =	sst s1  }
0xa: {  	[smem:$0x3FA8] =	sst s2  }
0xb: {  	[smem:$0x3FA9] =	sst s3  }
0xc: {  	[smem:$0x3FAA] =	sst s4  }
0xd: {  	[smem:$0x3FAB] =	sst s5  }
0xe: {  	[smem:$0x3FAC] =	sst s6  }
0xf: {  	[smem:$0x3FAD] =	sst s7  }
0x10: {  	[smem:$0x3FAE] =	sst s8  }
0x11: {  	[smem:$0x3FAF] =	sst s9;
	s0 =	simm.s32 @!p0 $0x0  }
0x12: {  	s1 =	sld [smem:$0x3F95];
	s0 =	simm.s32 @p0 $0x1  }
0x13: {  	[smem:$0x3FB0] =	sst s0;
	s0 =	simm.s32 @!p1 $0x0  }
0x14: {  	s2 =	sld [smem:$0x3F94];
	s0 =	simm.s32 @p1 $0x1  }
0x15: {  	[smem:$0x3FB1] =	sst s0;
	s0 =	simm.s32 @!p2 $0x0  }
0x16: {  	s3 =	sld [smem:$0x3FDB];
	s0 =	simm.s32 @p2 $0x1  }
0x17: {  	s4 =	simm.s32 $0x1BF5;
	[smem:$0x3FB3] =	sst s0  }
0x18: {  	s0 =	sld [smem:$0x3F96];
	_ =	swait.ge [sflag:s4], $0x0  }
0x19: {  	s7 =	sld [smem:$0x3F97]  }
0x1a: {  	s8 =	sadd.s32 $0xFFFFE003, lr  }
0x1b: {  	s9 =	sadd.s32 $0xFFFFFEF7, lr;
	s5 =	simm.s32 $0xFFFFFFFF;
	p2 =	slt.u32 s8, $0xFFFFF086  }
0x1c: {  	p1 =	slt.u32 s9, $0xF7A;
	s5 =	simm.s32 @!p2 $0x0  }
0x1d: {  	s5 =	simm.s32 @p1 $0x1;
	p0 =	seq.s32 s7, s2  }
0x1e: {  	s7 =	smul.u32 @!p0 $0xF7A, s2;
	p2 =	seq.s32 @!p0 s5, $0x0  }
0x1f: {  	s9 =	smul.u32 $0xF7A, s1;
	s8 =	simm.s32 @!p0 $0x1BF5;
	p2 =	por !p2, p0  }
0x20: {  	[sflag:s8] =	ssyncset.s32 @!p0 $0xFFFFF086;
	s6 =	sadd.s32 @!p0 s3, s7;
	s7 =	simm.s32 @!p0 $0x108  }
0x21: {  	s3 =	sadd.s32 s3, s9;
	s6 =	sadd.s32 @!p0 $0x88, s6;
	s7 =	simm.s32 @p2 $0x1082  }
0x22: {  	[simem:s7], [sflag:s8] =	dma.local @!p0 [hbm:s6], $0xF7A  }
0x23: {  	s9 =	sor.u32 $0xD0000000, s2;
	s6 =	simm.s32 $0x108;
	_ =	swait.ge @!p0 [sflag:s8], $0x0  }
0x24: {  	s3 =	sadd.s32 $0x88, s3;
	s6 =	simm.s32 @!p1 $0x1082;
	[sflag:s4] =	ssyncset.s32 $0xFFFFF086  }
0x25: {  	[simem:s6], [sflag:s4] =	dma.local [hbm:s3], $0xF7A  }
0x26: {  	[smem:$0x3F97] =	sst s1;
	(tag) =	ssettag s2;
	_ =	strace s9  }
0x27: {  	s1 =	sld [smem:$0x3FA7]  }
0x28: {  	s2 =	sld [smem:$0x3FA8]  }
0x29: {  	s4 =	sld [smem:$0x3FAA]  }
0x2a: {  	p0 =	seq.s32 s5, $0x0;
	s5 =	sld [smem:$0x3FAB]  }
0x2b: {  	s6 =	sld [smem:$0x3FAC]  }
0x2c: {  	s7 =	sld [smem:$0x3FAD]  }
0x2d: {  	s3 =	simm.s32 $0x108;
	s8 =	sld [smem:$0x3FAE]  }
0x2e: {  	s3 =	simm.s32 @!p0 $0x1082;
	s9 =	sld [smem:$0x3FAF]  }
0x2f: {  	lr =	sadd.s32 s0, s3;
	s0 =	sld [smem:$0x3FA6]  }
0x30: {  	s3 =	sld [smem:$0x3FA9]  }
0x31: {  	[smem:$0x3FB2] =	sst s10  }
0x32: {  	s10 =	sld [smem:$0x3FB0];
	_ =	sdelay $0x3  }
0x33: {  	p0 =	seq.s32 s10, $0x1;
	s10 =	sld [smem:$0x3FB2];
	_ =	sdelay $0x3  }
0x34: {  	[smem:$0x3FB2] =	sst s10  }
0x35: {  	s10 =	sld [smem:$0x3FB1];
	_ =	sdelay $0x3  }
0x36: {  	p1 =	seq.s32 s10, $0x1;
	s10 =	sld [smem:$0x3FB2];
	_ =	sdelay $0x3  }
0x37: {  	[smem:$0x3FB2] =	sst s10  }
0x38: {  	s10 =	sld [smem:$0x3FB3]  }
0x39: {  	_ = 	snop;
	(pc) =	sbr.ind lr, $3  }
0x3a: {  	_ = 	snop  }
0x3b: {  	_ = 	snop  }
0x3c: {  	p2 =	seq.s32 s10, $0x1;
	s10 =	sld [smem:$0x3FB2]  }
0x3d: {  	_ =	shalt  }
0x3e: {  	_ =	shalt  }
0x3f: {  	_ =	shalt  }
0x40: {  	_ =	shalt  }
0x41: {  	_ =	shalt  }
0x42: {  	_ =	shalt  }
0x43: {  	_ =	shalt  }
0x44: {  	_ =	shalt  }
0x45: {  	_ =	shalt  }
0x46: {  	_ =	shalt  }
0x47: {  	_ =	shalt  }
0x48: {  	_ =	shalt  }
0x49: {  	_ =	shalt  }
0x4a: {  	_ =	shalt  }
0x4b: {  	_ =	shalt  }
0x4c: {  	_ =	shalt  }
0x4d: {  	_ =	shalt  }
0x4e: {  	_ =	shalt  }
0x4f: {  	_ =	shalt  }
0x50: {  	_ =	shalt  }
0x51: {  	_ =	shalt  }
0x52: {  	_ =	shalt  }
0x53: {  	_ =	shalt  }
0x54: {  	_ =	shalt  }
0x55: {  	_ =	shalt  }
0x56: {  	_ =	shalt  }
0x57: {  	_ =	shalt  }
0x58: {  	_ =	shalt  }
0x59: {  	_ =	shalt  }
0x5a: {  	_ =	shalt  }
0x5b: {  	_ =	shalt  }
0x5c: {  	_ =	shalt  }
0x5d: {  	_ =	shalt  }
0x5e: {  	_ =	shalt  }
0x5f: {  	_ =	shalt  }
0x60: {  	_ =	shalt  }
0x61: {  	_ =	shalt  }
0x62: {  	_ =	shalt  }
0x63: {  	_ =	shalt  }
0x64: {  	_ =	shalt  }
0x65: {  	_ =	shalt  }
0x66: {  	_ =	shalt  }
0x67: {  	_ =	shalt  }
0x68: {  	_ =	shalt  }
0x69: {  	_ =	shalt  }
0x6a: {  	_ =	shalt  }
0x6b: {  	_ =	shalt  }
0x6c: {  	_ =	shalt  }
0x6d: {  	_ =	shalt  }
0x6e: {  	_ =	shalt  }
0x6f: {  	_ =	shalt  }
0x70: {  	_ =	shalt  }
0x71: {  	_ =	shalt  }
0x72: {  	_ =	shalt  }
0x73: {  	_ =	shalt  }
0x74: {  	_ =	shalt  }
0x75: {  	_ =	shalt  }
0x76: {  	_ =	shalt  }
0x77: {  	_ =	shalt  }
0x78: {  	_ =	shalt  }
0x79: {  	_ =	shalt  }
0x7a: {  	_ =	shalt  }
0x7b: {  	_ =	shalt  }
0x7c: {  	_ =	shalt  }
0x7d: {  	_ =	shalt  }
0x7e: {  	_ =	shalt  }
0x7f: {  	_ =	shalt  }
0x80: {  	_ =	shalt  }
0x81: {  	_ =	shalt  }
0x82: {  	_ =	shalt  }
0x83: {  	_ =	shalt  }
0x84: {  	_ =	shalt  }
0x85: {  	_ =	shalt  }
0x86: {  	_ =	shalt  }
0x87: {  	_ =	shalt  }
.Lfunc_end0:
.L_simem_size_0:
called_computation.1_lowered:
.L_overlay_start_0:
0x88: {  	s0 =	sld [smem:$0x3FD9]  }
0x89: {  	s1 =	sld [smem:$0x3FFE];
	_ =	sdelay $0x3  }
0x8a: {  	s0 =	sadd.s32 s1, s0  }
0x8b: {  	[smem:$0x3FBE] =	sst s0  }
0x8c: {  	_ = 	snop  }
0x8d: {  	(tm) =	ssettm $0x1  }
0x8e: {  	s15 =	sld [smem:$0x3FFB];
	_ =	sdelay $0x3  }
0x8f: {  	_ =	strace s15  }
0x90: {  	s0 =	sld [smem:$0x3FFC];
	_ =	sdelay $0x3  }
0x91: {  	_ =	strace s0  }
0x92: {  	s0 =	sld [smem:$0x3FFD];
	_ =	sdelay $0x3  }
0x93: {  	_ =	strace s0  }
0x94: {  	_ =	strace $0x8FFFFFFF  }
0x95: {  	s16 =	sld [smem:$0x3FDB];
	_ =	sdelay $0x1  }
0x96: {  	s17 =	simm.s32 $_scs_section_size  }
0x97: {  	s2 =	simm.s32 $_size__tile_overlayer_lowered;
	s3 =	simm.s32 $_tile_overlayer_lowered  }
0x98: {  	s20 =	simm.s32 $0x1BFF;
	s19 =	sshll.u32 s3, $0x1;
	s0 =	sadd.s32 s17, s16  }
0x99: {  	s4 =	simm.s32 $0x0;
	s18 =	sshll.u32 s2, $0x1;
	s2 =	sadd.s32 s19, s0  }
0x9a: {  	[timem:s4], [sflag:s20] =	dma.local [hbm:s2], s18  }
0x9b: {  	_ =	swait.ge [sflag:s20], s18  }
0x9c: {  	s1 =	ssub.s32 $0x0, s18;
	[sflag:s20] =	ssyncset.done $0x0  }
0x9d: {  	[sflag:s20] =	ssyncadd.s32 s1;
	_ =	sdelay $0x1  }
0x9e: {  	s21 =	simm.s32 $0x1B8B  }
0x9f: {  	_ =	swait.ge [sflag:s21], $0x1  }
0xa0: {  	[sflag:s21] =	ssyncset.done $0x0  }
0xa1: {  	s23 =	simm.s32 $0x1B8E;
	s22 =	sld [smem:$0x3FFE];
	[sflag:s21] =	ssyncadd.s32 $0xFFFFFFFF  }
0xa2: {  	s24 =	simm.s32 $execute0_lowered;
	[smem:$0x3FD2] =	sst s23  }
0xa3: {  	s2 =	sshll.u32 s24, $0x1;
	_ =	strace $0x80000049;
	[dreg:$0x1] =	wrdreg $0xFFFFFFFF  }
0xa4: {  	s25 =	simm.s32 $_size_execute0_lowered;
	s0 =	sadd.s32 s0, s2;
	[dreg:$0x0] =	wrdreg $0x0  }
0xa5: {  	s2 =	sshll.u32 s25, $0x1;
	[dreg:$0x2] =	wrdreg s0  }
0xa6: {  	[dreg:$0x3] =	wrdreg s2  }
0xa7: {  	[dreg:$0x4] =	wrdreg $0xC0  }
0xa8: {  	_ =	task [dreg:s4], $0x5FFFF  }
0xa9: {  	[dreg:$0x1] =	wrdreg $0xFFFFFFFF  }
0xaa: {  	[dreg:$0x0] =	wrdreg $0x60  }
0xab: {  	[dreg:$0x2] =	wrdreg s22  }
0xac: {  	[dreg:$0x3] =	wrdreg $0x9  }
0xad: {  	_ =	task.clear_ibuf [dreg:s4], $0x4FFFF;
	_ =	strace $0x90000049  }
0xae: {  	s26 =	simm.s32 $0x9;
	_ =	strace $0x8000004B  }
0xaf: {  	_ =	swait.ge [sflag:s26], $0x1  }
0xb0: {  	[sflag:s26] =	ssyncadd.s32 $0xFFFFFFFF  }
0xb1: {  	_ =	strace $0x9000004B  }
0xb2: {  	_ =	sfence  }
0xb3: {  	s28 =	sld [smem:$0x0];
	_ =	sdelay $0x1  }
0xb4: {  	s29 =	srdreg.scid  }
0xb5: {  	s30 =	sshll.u32 s29, $0xD;
	s31 =	sshrl.u32 s29, $0x2  }
0xb6: {  	s1 =	sand.u32 $0x1, s29;
	s2 =	sand.u32 $0x4000, s30;
	s0 =	sadd.s32 s31, s28  }
0xb7: {  	s1 =	sor.u32 s2, s1;
	s0 =	sshll.u32 s0, $0x11  }
0xb8: {  	s0 =	sor.u32 s0, s1  }
0xb9: {  	s0 =	sadd.s32 $0x8F2B, s0  }
0xba: {  	[sflag:s0] =	ssyncadd.remote.s32 $0x1  }
0xbb: {  	_ =	sfence.sel $0xFFFF  }
0xbc: {  	[dreg:$0x0] =	wrdreg $0xFFFFFFFF;
	(pc) =	sbr.abs _section_cstart, $3  }
0xbd: {  	[dreg:$0x1] =	wrdreg $0xFFFFFFFF  }
0xbe: {  	_ =	task.clear_ibuf [dreg:s4], $0x2FFFF;
	_ =	strace $0x9FFFFFFF  }
0xbf: {  	(tm) =	ssettm $0x7FFFFFFF  }
tec
execute0_lowered:
.L_overlay_start_1:
0x0: {  	(tag) =	ssettag $0x1  }
0x1: {  	s2 =	rddreg [dreg:$0x0]  }
0x2: {  	s0 =	rddreg [dreg:$0x1]  }
0x3: {  	_ =	strace $0x8000004A;
	s4 =	stileid.u32;
	s5 =	simm.s32 $0x3E  }
0x4: {  	s1 =	sadd.s32 $0x1200, s2;
	p0 =	sne.s32 s4, $0x0;
	[sflag:s5] =	ssyncpa.u1 $0x0  }
0x5: {  	s30 =	smin.u32 s4, $0x9;
	s3 =	simm.s32 @!p0 $0x1C3E;
	s6 =	simm.s32 @!p0 $0x0  }
0x6: {  	[spmem:s6], [sflag:s3] =	dma.local @!p0 [hbm:s1], $0x4E80  }
0x7: {  	s3 =	sadd.s32 s4, s30  }
0x8: {  	p1 =	slt.u32 s4, $0x9;
	s4 =	simm.s32 $0x320;
	s3 =	smul.u32 $0x190, s3  }
0x9: {  	s4 =	simm.s32 @!p1 $0x190  }
0xa: {  	s4 =	sadd.s32 s4, s3  }
0xb: {  	s4 =	smin.u32 s4, $0x2710  }
0xc: {  	s7 =	ssub.s32 s4, s3  }
0xd: {  	p1 =	sgt.s32 s7, $0x0  }
0xe: {  	s7 =	simm.s32 @!p1 $0x0  }
0xf: {  	s8 =	sand.u32 $0xFFF0, s7  }
0x10: {  	s8 =	sshrl.u32 s8, $0x4  }
0x11: {  	s6 =	simm.s32 @!p0 $0x3E;
	s31 =	smul.u32 $0xA3E, s8  }
0x12: {  	_ =	swait.ge @!p0 [sflag:s6], $0x4E80  }
0x13: {  	[sflag:s6] =	ssyncset.done @!p0 $0x0;
	s8 =	sshrl.u32 s31, $0x10  }
0x14: {  	s11 =	simm.s32 $0x0;
	[sflag:s6] =	ssyncadd.s32 @!p0 $0xFFFFB180;
	s9 =	smul.u32 $0x190, s8  }
.Ltmp0:
0x15: {  	s6 =	simm.s32 $0x2;
	[bflag:$0x0] =	sbarrier.arrive $0xFFFF;
	(pc) =	sbr.rel .LBB2_1-.Ltmp0, $4  }
0x16: {  	s10 =	smov.u32 s3;
	[sflag:s5] =	ssyncpa.u1 $0x1;
	s5 =	simm.s32 $0x1  }
0x17: {  	[sflag:s5] =	ssyncpa.u1 $0x0;
	p1 =	sne.s32 s7, s9;
	s9 =	simm.s32 $0x1  }
0x18: {  	(ifvalue) =	ssetifvalue $0x27400;
	[sflag:s6] =	ssyncpa.u1 $0x0;
	s9 =	simm.s32 @!p1 $0x0  }
0x19: {  	vm0 =	vmmov $0xffff;
	s7 =	sadd.s32 $0x6200, s2;
	s8 =	sadd.s32 s8, s9;
	s9 =	simm.s32 $0x0  }
.LBB2_5:
0x1a: {  	p2 =	sne.s32 s11, s8  }
.Ltmp1:
0x1b: {  	_ = 	snop;
	(pc) =	sbr.rel @!p2 .LBB2_6-.Ltmp1, $4  }
0x1c: {  	_ = 	snop  }
0x1d: {  	s12 =	sadd.s32 $0x190, s10  }
0x1e: {  	s10 =	smov.u32 s3;
	s13 =	sadd.s32 $0x1, s11;
	p1 =	slt.s32 s12, s4  }
0x1f: {  	s11 =	smov.u32 s13;
	s10 =	smov.u32 @p1 s12  }
.LBB2_1:
0x20: {  	p1 =	sge.u32 s11, s8  }
0x21: {  	s12 =	sxor.u32 @!p1 $0xFFFFFFFF, s11  }
0x22: {  	s12 =	sand.u32 @!p1 $0x1, s12  }
0x23: {  	s12 =	smul.u32 @!p1 $0x190, s12  }
0x24: {  	s13 =	sshrl.u32 @!p1 s10, $0x3  }
0x25: {  	s16 =	sand.u32 @!p1 $0x7, s10;
	s14 =	sadd.s32 @!p1 s2, s13;
	s15 =	sadd.s32 @!p1 $0x2740, s12  }
0x26: {  	[tilespmem:s15], [sflag:$0x2] =	stream.linear.gather @!p1 [hbm4b:s14+s16], $0x190, $0x38;
	[tilespmem:$0x2D80] =	vst v63  }
0x27: {  	s13 =	sadd.s32 @!p1 s7, s13;
	s12 =	sadd.s32 @!p1 $0x2A60, s12  }
0x28: {  	[tilespmem:s12], [sflag:$0x2] =	stream.linear.gather @!p1 [hbm4b:s13+s16], $0x190, $0x38;
	[tilespmem:$0x2D80] =	vst v63  }
0x29: {  	p1 =	seq.s32 s11, $0x0  }
.Ltmp2:
0x2a: {  	_ = 	snop;
	(pc) =	sbr.rel @p1 .LBB2_5-.Ltmp2, $1  }
0x2b: {  	_ =	sdelay $0x3  }
0x2c: {  	s12 =	sand.u32 $0x1, s11  }
0x2d: {  	_ =	swait.ge [sflag:s6], $0x320;
	p1 =	seq.s32 s12, $0x1;
	s12 =	simm.s32 $0x190  }
0x2e: {  	[sflag:s6] =	ssyncset.done $0x0;
	s12 =	simm.s32 @!p1 $0x0  }
0x2f: {  	[sflag:s6] =	ssyncadd.s32 $0xFFFFFCE0;
	s14 =	sadd.s32 $0x2740, s12  }
0x30: {  	v0 =	vld.msk [tilespmem:s14+$0x0 ss:$0x1], $0xffff;
	_ =	sdelay $0x4  }
0x31: {  	v0 =	vmin.u32 v0, $0x27400;
	_ =	sdelay $0x3  }
0x32: {  	s13 =	simm.s32 $0x0;
	s12 =	sor.u32 $0x2A60, s12;
	s14 =	sadd.s32 $0x10, s14  }
0x33: {  	[spmem:s9] =	stream.indirect_vreg.scatter.add.s32 [tilespmem:s12], [sflag:$0x1], $0x1, v0, vm0, $0x4038;
	[tilespmem:$0x2D80] =	vst v63  }
.LBB2_3:
0x34: {  	v0 =	vld.msk [tilespmem:s14+$0x0 ss:$0x1], $0xffff;
	s13 =	sadd.s32 $0x10, s13  }
0x35: {  	p1 =	slt.u32 s13, $0x180;
	_ =	sdelay $0x4  }
0x36: {  	v0 =	vmin.u32 v0, $0x27400  }
.Ltmp3:
0x37: {  	(pc) =	sbr.rel @p1 .LBB2_3-.Ltmp3, $3  }
0x38: {  	_ =	sdelay $0x1  }
0x39: {  	s14 =	sadd.s32 $0x10, s14;
	s12 =	sadd.s32 $0x10, s12  }
0x3a: {  	[spmem:s9] =	stream.indirect_vreg.scatter.add.s32 [tilespmem:s12], [sflag:$0x1], $0x1, v0, vm0, $0x4038;
	[tilespmem:$0x2D80] =	vst v63  }
.Ltmp4:
0x3b: {  	(pc) =	sbr.rel .LBB2_5-.Ltmp4, $4  }
0x3c: {  	_ = 	snop  }
0x3d: {  	_ =	swait.ge [sflag:s5], $0x190  }
0x3e: {  	[sflag:s5] =	ssyncset.done $0x0  }
0x3f: {  	[sflag:s5] =	ssyncadd.s32 $0xFFFFFE70  }
.LBB2_6:
0x40: {  	_ =	sfence.sel $0x180000  }
0x41: {  	s2 =	simm.s32 $0x2;
	[bflag:$0x0] =	sbarrier.arrive $0xFFFF  }
0x42: {  	s30 =	simm.s32 $0x1;
	[sflag:s2] =	ssyncpa.u1 $0x1  }
0x43: {  	[sflag:s30] =	ssyncpa.u1 $0x1  }
0x44: {  	_ =	sfence.stream.spmem  }
0x45: {  	s31 =	simm.s32 $0x3D;
	[bflag:$0x0] =	sbarrier.arrive $0xFFFF  }
0x46: {  	s2 =	simm.s32 @p0 $0x3D;
	[sflag:s31] =	ssyncpa.u1 $0x0  }
0x47: {  	[sflag:s2] =	ssyncpa.u1 @p0 $0x1  }
0x48: {  	[bflag:$0x0] =	sbarrier.arrive @p0 $0xFFFF  }
0x49: {  	_ =	strace @p0 $0x9000004A  }
0x4a: {  	s3 =	simm.s32 @!p0 $0x1C3D;
	s2 =	simm.s32 @!p0 $0x0;
	[bflag:$0x2] =	sbarrier.arrive @p0 $0xFFFF  }
0x4b: {  	[hbm:s1], [sflag:s3] =	dma.local @!p0 [spmem:s2], $0x4E80  }
0x4c: {  	s1 =	simm.s32 @!p0 $0x3D  }
0x4d: {  	_ =	swait.ge @!p0 [sflag:s1], $0x4E80  }
0x4e: {  	[sflag:s1] =	ssyncset.done @!p0 $0x0  }
0x4f: {  	[sflag:s1] =	ssyncadd.s32 @!p0 $0xFFFFB180  }
0x50: {  	[sflag:s1] =	ssyncpa.u1 @!p0 $0x1  }
0x51: {  	[bflag:$0x0] =	sbarrier.arrive @!p0 $0xFFFF  }
0x52: {  	_ =	strace @!p0 $0x9000004A  }
0x53: {  	s0 =	sadd.s32 @!p0 $0x100000, s0;
	[bflag:$0x2] =	sbarrier.arrive @!p0 $0xFFFF  }
0x54: {  	[sflag:s0] =	ssyncadd.tile.s32 @!p0 $0x1;
	_ =	shalt  }
.Lfunc_end2:
_tile_overlayer_lowered:
.L_overlay_start_2:
0x55: {  	(tag) =	ssettag $0x2  }
0x56: {  	s0 =	rddreg [dreg:$0x0];
	s2 =	stileid.u32  }
0x57: {  	s1 =	rddreg [dreg:$0x1];
	p0 =	sne.s32 s2, $0x0  }
0x58: {  	s3 =	rddreg [dreg:$0x2];
	[bflag:$0x3] =	sbarrier.arrive $0xFFFF;
	s2 =	simm.s32 @!p0 $0x1C01  }
0x59: {  	[timem:s3], [sflag:s2] =	dma.local @!p0 [hbm:s0], s1  }
0x5a: {  	s0 =	simm.s32 @!p0 $0x1  }
0x5b: {  	_ =	swait.ge @!p0 [sflag:s0], s1  }
0x5c: {  	s1 =	ssub.s32 @!p0 $0x0, s1;
	[sflag:s0] =	ssyncset.done @!p0 $0x0  }
0x5d: {  	[sflag:s0] =	ssyncadd.s32 @!p0 s1  }
0x5e: {  	[bflag:$0x3] =	sbarrier.arrive $0xFFFF  }
0x5f: {  	_ =	shalt  }

// kernel: scatter_offload_async_start
scs
__scs_entry_jumppad:
0x0: {  	(pc) =	sbr.rel $0x88, $3  }
0x1: {  	(tag) =	ssettag $0x0;
	lr =	simm.s32 $0x1  }
0x2: {  	[smem:$0x3F97] =	sst lr;
	_ =	strace $0xD0000000  }
0x3: {  	_ = 	snop  }
0x4: {  	_ = 	snop  }
0x5: {  	_ = 	snop  }
0x6: {  	_ = 	snop  }
0x7: {  	_ = 	snop  }
__scs_overlays_trampoline_lowered:
0x8: {  	[smem:$0x3FA6] =	sst s0  }
0x9: {  	[smem:$0x3FA7] =	sst s1  }
0xa: {  	[smem:$0x3FA8] =	sst s2  }
0xb: {  	[smem:$0x3FA9] =	sst s3  }
0xc: {  	[smem:$0x3FAA] =	sst s4  }
0xd: {  	[smem:$0x3FAB] =	sst s5  }
0xe: {  	[smem:$0x3FAC] =	sst s6  }
0xf: {  	[smem:$0x3FAD] =	sst s7  }
0x10: {  	[smem:$0x3FAE] =	sst s8  }
0x11: {  	[smem:$0x3FAF] =	sst s9;
	s0 =	simm.s32 @!p0 $0x0  }
0x12: {  	s1 =	sld [smem:$0x3F95];
	s0 =	simm.s32 @p0 $0x1  }
0x13: {  	[smem:$0x3FB0] =	sst s0;
	s0 =	simm.s32 @!p1 $0x0  }
0x14: {  	s2 =	sld [smem:$0x3F94];
	s0 =	simm.s32 @p1 $0x1  }
0x15: {  	[smem:$0x3FB1] =	sst s0;
	s0 =	simm.s32 @!p2 $0x0  }
0x16: {  	s3 =	sld [smem:$0x3FDB];
	s0 =	simm.s32 @p2 $0x1  }
0x17: {  	s4 =	simm.s32 $0x1BF5;
	[smem:$0x3FB3] =	sst s0  }
0x18: {  	s0 =	sld [smem:$0x3F96];
	_ =	swait.ge [sflag:s4], $0x0  }
0x19: {  	s7 =	sld [smem:$0x3F97]  }
0x1a: {  	s8 =	sadd.s32 $0xFFFFE003, lr  }
0x1b: {  	s9 =	sadd.s32 $0xFFFFFEF7, lr;
	s5 =	simm.s32 $0xFFFFFFFF;
	p2 =	slt.u32 s8, $0xFFFFF086  }
0x1c: {  	p1 =	slt.u32 s9, $0xF7A;
	s5 =	simm.s32 @!p2 $0x0  }
0x1d: {  	s5 =	simm.s32 @p1 $0x1;
	p0 =	seq.s32 s7, s2  }
0x1e: {  	s7 =	smul.u32 @!p0 $0xF7A, s2;
	p2 =	seq.s32 @!p0 s5, $0x0  }
0x1f: {  	s9 =	smul.u32 $0xF7A, s1;
	s8 =	simm.s32 @!p0 $0x1BF5;
	p2 =	por !p2, p0  }
0x20: {  	[sflag:s8] =	ssyncset.s32 @!p0 $0xFFFFF086;
	s6 =	sadd.s32 @!p0 s3, s7;
	s7 =	simm.s32 @!p0 $0x108  }
0x21: {  	s3 =	sadd.s32 s3, s9;
	s6 =	sadd.s32 @!p0 $0x88, s6;
	s7 =	simm.s32 @p2 $0x1082  }
0x22: {  	[simem:s7], [sflag:s8] =	dma.local @!p0 [hbm:s6], $0xF7A  }
0x23: {  	s9 =	sor.u32 $0xD0000000, s2;
	s6 =	simm.s32 $0x108;
	_ =	swait.ge @!p0 [sflag:s8], $0x0  }
0x24: {  	s3 =	sadd.s32 $0x88, s3;
	s6 =	simm.s32 @!p1 $0x1082;
	[sflag:s4] =	ssyncset.s32 $0xFFFFF086  }
0x25: {  	[simem:s6], [sflag:s4] =	dma.local [hbm:s3], $0xF7A  }
0x26: {  	[smem:$0x3F97] =	sst s1;
	(tag) =	ssettag s2;
	_ =	strace s9  }
0x27: {  	s1 =	sld [smem:$0x3FA7]  }
0x28: {  	s2 =	sld [smem:$0x3FA8]  }
0x29: {  	s4 =	sld [smem:$0x3FAA]  }
0x2a: {  	p0 =	seq.s32 s5, $0x0;
	s5 =	sld [smem:$0x3FAB]  }
0x2b: {  	s6 =	sld [smem:$0x3FAC]  }
0x2c: {  	s7 =	sld [smem:$0x3FAD]  }
0x2d: {  	s3 =	simm.s32 $0x108;
	s8 =	sld [smem:$0x3FAE]  }
0x2e: {  	s3 =	simm.s32 @!p0 $0x1082;
	s9 =	sld [smem:$0x3FAF]  }
0x2f: {  	lr =	sadd.s32 s0, s3;
	s0 =	sld [smem:$0x3FA6]  }
0x30: {  	s3 =	sld [smem:$0x3FA9]  }
0x31: {  	[smem:$0x3FB2] =	sst s10  }
0x32: {  	s10 =	sld [smem:$0x3FB0];
	_ =	sdelay $0x3  }
0x33: {  	p0 =	seq.s32 s10, $0x1;
	s10 =	sld [smem:$0x3FB2];
	_ =	sdelay $0x3  }
0x34: {  	[smem:$0x3FB2] =	sst s10  }
0x35: {  	s10 =	sld [smem:$0x3FB1];
	_ =	sdelay $0x3  }
0x36: {  	p1 =	seq.s32 s10, $0x1;
	s10 =	sld [smem:$0x3FB2];
	_ =	sdelay $0x3  }
0x37: {  	[smem:$0x3FB2] =	sst s10  }
0x38: {  	s10 =	sld [smem:$0x3FB3]  }
0x39: {  	_ = 	snop;
	(pc) =	sbr.ind lr, $3  }
0x3a: {  	_ = 	snop  }
0x3b: {  	_ = 	snop  }
0x3c: {  	p2 =	seq.s32 s10, $0x1;
	s10 =	sld [smem:$0x3FB2]  }
0x3d: {  	_ =	shalt  }
0x3e: {  	_ =	shalt  }
0x3f: {  	_ =	shalt  }
0x40: {  	_ =	shalt  }
0x41: {  	_ =	shalt  }
0x42: {  	_ =	shalt  }
0x43: {  	_ =	shalt  }
0x44: {  	_ =	shalt  }
0x45: {  	_ =	shalt  }
0x46: {  	_ =	shalt  }
0x47: {  	_ =	shalt  }
0x48: {  	_ =	shalt  }
0x49: {  	_ =	shalt  }
0x4a: {  	_ =	shalt  }
0x4b: {  	_ =	shalt  }
0x4c: {  	_ =	shalt  }
0x4d: {  	_ =	shalt  }
0x4e: {  	_ =	shalt  }
0x4f: {  	_ =	shalt  }
0x50: {  	_ =	shalt  }
0x51: {  	_ =	shalt  }
0x52: {  	_ =	shalt  }
0x53: {  	_ =	shalt  }
0x54: {  	_ =	shalt  }
0x55: {  	_ =	shalt  }
0x56: {  	_ =	shalt  }
0x57: {  	_ =	shalt  }
0x58: {  	_ =	shalt  }
0x59: {  	_ =	shalt  }
0x5a: {  	_ =	shalt  }
0x5b: {  	_ =	shalt  }
0x5c: {  	_ =	shalt  }
0x5d: {  	_ =	shalt  }
0x5e: {  	_ =	shalt  }
0x5f: {  	_ =	shalt  }
0x60: {  	_ =	shalt  }
0x61: {  	_ =	shalt  }
0x62: {  	_ =	shalt  }
0x63: {  	_ =	shalt  }
0x64: {  	_ =	shalt  }
0x65: {  	_ =	shalt  }
0x66: {  	_ =	shalt  }
0x67: {  	_ =	shalt  }
0x68: {  	_ =	shalt  }
0x69: {  	_ =	shalt  }
0x6a: {  	_ =	shalt  }
0x6b: {  	_ =	shalt  }
0x6c: {  	_ =	shalt  }
0x6d: {  	_ =	shalt  }
0x6e: {  	_ =	shalt  }
0x6f: {  	_ =	shalt  }
0x70: {  	_ =	shalt  }
0x71: {  	_ =	shalt  }
0x72: {  	_ =	shalt  }
0x73: {  	_ =	shalt  }
0x74: {  	_ =	shalt  }
0x75: {  	_ =	shalt  }
0x76: {  	_ =	shalt  }
0x77: {  	_ =	shalt  }
0x78: {  	_ =	shalt  }
0x79: {  	_ =	shalt  }
0x7a: {  	_ =	shalt  }
0x7b: {  	_ =	shalt  }
0x7c: {  	_ =	shalt  }
0x7d: {  	_ =	shalt  }
0x7e: {  	_ =	shalt  }
0x7f: {  	_ =	shalt  }
0x80: {  	_ =	shalt  }
0x81: {  	_ =	shalt  }
0x82: {  	_ =	shalt  }
0x83: {  	_ =	shalt  }
0x84: {  	_ =	shalt  }
0x85: {  	_ =	shalt  }
0x86: {  	_ =	shalt  }
0x87: {  	_ =	shalt  }
.Lfunc_end0:
.L_simem_size_0:
called_computation_lowered:
.L_overlay_start_0:
0x88: {  	s0 =	sld [smem:$0x3FD9]  }
0x89: {  	s1 =	sld [smem:$0x3FFE];
	_ =	sdelay $0x3  }
0x8a: {  	s0 =	sadd.s32 s1, s0  }
0x8b: {  	[smem:$0x3FBE] =	sst s0  }
0x8c: {  	_ = 	snop  }
0x8d: {  	(tm) =	ssettm $0x1  }
0x8e: {  	s15 =	sld [smem:$0x3FFB];
	_ =	sdelay $0x3  }
0x8f: {  	_ =	strace s15  }
0x90: {  	s0 =	sld [smem:$0x3FFC];
	_ =	sdelay $0x3  }
0x91: {  	_ =	strace s0  }
0x92: {  	s0 =	sld [smem:$0x3FFD];
	_ =	sdelay $0x3  }
0x93: {  	_ =	strace s0  }
0x94: {  	_ =	strace $0x8FFFFFFF  }
0x95: {  	s16 =	sld [smem:$0x3FDB];
	_ =	sdelay $0x1  }
0x96: {  	s17 =	simm.s32 $_scs_section_size  }
0x97: {  	s2 =	simm.s32 $_size__tile_overlayer_lowered;
	s3 =	simm.s32 $_tile_overlayer_lowered  }
0x98: {  	s20 =	simm.s32 $0x1BFF;
	s19 =	sshll.u32 s3, $0x1;
	s0 =	sadd.s32 s17, s16  }
0x99: {  	s4 =	simm.s32 $0x0;
	s18 =	sshll.u32 s2, $0x1;
	s2 =	sadd.s32 s19, s0  }
0x9a: {  	[timem:s4], [sflag:s20] =	dma.local [hbm:s2], s18  }
0x9b: {  	_ =	swait.ge [sflag:s20], s18  }
0x9c: {  	s1 =	ssub.s32 $0x0, s18;
	[sflag:s20] =	ssyncset.done $0x0  }
0x9d: {  	[sflag:s20] =	ssyncadd.s32 s1;
	_ =	sdelay $0x1  }
0x9e: {  	s21 =	simm.s32 $0x1B8B  }
0x9f: {  	_ =	swait.ge [sflag:s21], $0x1  }
0xa0: {  	[sflag:s21] =	ssyncset.done $0x0  }
0xa1: {  	s23 =	simm.s32 $0x1B8E;
	s22 =	sld [smem:$0x3FFE];
	[sflag:s21] =	ssyncadd.s32 $0xFFFFFFFF  }
0xa2: {  	s24 =	simm.s32 $execute0_lowered;
	[smem:$0x3FD2] =	sst s23  }
0xa3: {  	s2 =	sshll.u32 s24, $0x1;
	_ =	strace $0x80000046;
	[dreg:$0x1] =	wrdreg $0xFFFFFFFF  }
0xa4: {  	s25 =	simm.s32 $_size_execute0_lowered;
	s0 =	sadd.s32 s0, s2;
	[dreg:$0x0] =	wrdreg $0x0  }
0xa5: {  	s2 =	sshll.u32 s25, $0x1;
	[dreg:$0x2] =	wrdreg s0  }
0xa6: {  	[dreg:$0x3] =	wrdreg s2  }
0xa7: {  	[dreg:$0x4] =	wrdreg $0xC0  }
0xa8: {  	_ =	task [dreg:s4], $0x5FFFF  }
0xa9: {  	[dreg:$0x1] =	wrdreg $0xFFFFFFFF  }
0xaa: {  	[dreg:$0x0] =	wrdreg $0x60  }
0xab: {  	[dreg:$0x2] =	wrdreg s22  }
0xac: {  	[dreg:$0x3] =	wrdreg $0x9  }
0xad: {  	_ =	task.clear_ibuf [dreg:s4], $0x4FFFF;
	_ =	strace $0x90000046  }
0xae: {  	s26 =	simm.s32 $0x9;
	_ =	strace $0x80000048  }
0xaf: {  	_ =	swait.ge [sflag:s26], $0x1  }
0xb0: {  	[sflag:s26] =	ssyncadd.s32 $0xFFFFFFFF  }
0xb1: {  	_ =	strace $0x90000048  }
0xb2: {  	_ =	sfence  }
0xb3: {  	s28 =	sld [smem:$0x0];
	_ =	sdelay $0x1  }
0xb4: {  	s29 =	srdreg.scid  }
0xb5: {  	s30 =	sshll.u32 s29, $0xD;
	s31 =	sshrl.u32 s29, $0x2  }
0xb6: {  	s1 =	sand.u32 $0x1, s29;
	s2 =	sand.u32 $0x4000, s30;
	s0 =	sadd.s32 s31, s28  }
0xb7: {  	s1 =	sor.u32 s2, s1;
	s0 =	sshll.u32 s0, $0x11  }
0xb8: {  	s0 =	sor.u32 s0, s1  }
0xb9: {  	s0 =	sadd.s32 $0x8F2B, s0  }
0xba: {  	[sflag:s0] =	ssyncadd.remote.s32 $0x1  }
0xbb: {  	_ =	sfence.sel $0xFFFF  }
0xbc: {  	[dreg:$0x0] =	wrdreg $0xFFFFFFFF;
	(pc) =	sbr.abs _section_cstart, $3  }
0xbd: {  	[dreg:$0x1] =	wrdreg $0xFFFFFFFF  }
0xbe: {  	_ =	task.clear_ibuf [dreg:s4], $0x2FFFF;
	_ =	strace $0x9FFFFFFF  }
0xbf: {  	(tm) =	ssettm $0x7FFFFFFF  }
tec
execute0_lowered:
.L_overlay_start_1:
0x0: {  	(tag) =	ssettag $0x1  }
0x1: {  	s2 =	rddreg [dreg:$0x0]  }
0x2: {  	s0 =	rddreg [dreg:$0x1]  }
0x3: {  	_ =	strace $0x80000047;
	s4 =	stileid.u32;
	s5 =	simm.s32 $0x3E  }
0x4: {  	s1 =	sadd.s32 $0x19000, s2;
	p0 =	sne.s32 s4, $0x0;
	[sflag:s5] =	ssyncpa.u1 $0x0  }
0x5: {  	s30 =	smin.u32 s4, $0x4;
	s3 =	simm.s32 @!p0 $0x1C3E;
	s6 =	simm.s32 @!p0 $0x0  }
0x6: {  	[spmem:s6], [sflag:s3] =	dma.local @!p0 [hbm:s1], $0x500  }
0x7: {  	s3 =	sadd.s32 s4, s30  }
0x8: {  	p1 =	slt.u32 s4, $0x4;
	s4 =	simm.s32 $0x3E80;
	s3 =	smul.u32 $0x1F40, s3  }
0x9: {  	s4 =	simm.s32 @!p1 $0x1F40  }
0xa: {  	s4 =	sadd.s32 s4, s3  }
0xb: {  	s4 =	smin.u32 s4, $0x27100  }
0xc: {  	s7 =	ssub.s32 s4, s3  }
0xd: {  	p1 =	sgt.s32 s7, $0x0  }
0xe: {  	s7 =	simm.s32 @!p1 $0x0  }
0xf: {  	s6 =	simm.s32 @!p0 $0x3E;
	s31 =	smulhi.u32 $0x10624DD3, s7  }
0x10: {  	_ =	swait.ge @!p0 [sflag:s6], $0x500  }
0x11: {  	[sflag:s6] =	ssyncset.done @!p0 $0x0;
	s8 =	sshrl.u32 s31, $0x9  }
0x12: {  	s11 =	simm.s32 $0x0;
	[sflag:s6] =	ssyncadd.s32 @!p0 $0xFFFFFB00;
	s9 =	smul.u32 $0x1F40, s8  }
.Ltmp0:
0x13: {  	s6 =	simm.s32 $0x2;
	[bflag:$0x0] =	sbarrier.arrive $0xFFFF;
	(pc) =	sbr.rel .LBB2_1-.Ltmp0, $4  }
0x14: {  	s10 =	smov.u32 s3;
	[sflag:s5] =	ssyncpa.u1 $0x1;
	s5 =	simm.s32 $0x1  }
0x15: {  	[sflag:s5] =	ssyncpa.u1 $0x0;
	p1 =	sne.s32 s7, s9;
	s9 =	simm.s32 $0x1  }
0x16: {  	(ifvalue) =	ssetifvalue $0x2800;
	[sflag:s6] =	ssyncpa.u1 $0x0;
	s9 =	simm.s32 @!p1 $0x0  }
0x17: {  	vm0 =	vmmov $0xffff;
	s7 =	sadd.s32 $0x14000, s2;
	s8 =	sadd.s32 s9, s8;
	s9 =	simm.s32 $0x0  }
.LBB2_5:
0x18: {  	p2 =	sne.s32 s11, s8  }
.Ltmp1:
0x19: {  	_ = 	snop;
	(pc) =	sbr.rel @!p2 .LBB2_6-.Ltmp1, $4  }
0x1a: {  	_ = 	snop  }
0x1b: {  	s12 =	sadd.s32 $0x1F40, s10  }
0x1c: {  	s10 =	smov.u32 s3;
	s13 =	sadd.s32 $0x1, s11;
	p1 =	slt.s32 s12, s4  }
0x1d: {  	s11 =	smov.u32 s13;
	s10 =	smov.u32 @p1 s12  }
.LBB2_1:
0x1e: {  	p1 =	sge.u32 s11, s8  }
0x1f: {  	s12 =	sxor.u32 @!p1 $0xFFFFFFFF, s11  }
0x20: {  	s12 =	sand.u32 @!p1 $0x1, s12  }
0x21: {  	s12 =	smul.u32 @!p1 $0x1F40, s12  }
0x22: {  	s13 =	sshrl.u32 @!p1 s10, $0x3  }
0x23: {  	s16 =	sand.u32 @!p1 $0x7, s10;
	s14 =	sadd.s32 @!p1 s2, s13;
	s15 =	sadd.s32 @!p1 $0x280, s12  }
0x24: {  	[tilespmem:s15], [sflag:$0x2] =	stream.linear.gather @!p1 [hbm4b:s14+s16], $0x1F40, $0x38;
	[tilespmem:$0x7F80] =	vst v63  }
0x25: {  	s13 =	sadd.s32 @!p1 s7, s13;
	s12 =	sadd.s32 @!p1 $0x4100, s12  }
0x26: {  	[tilespmem:s12], [sflag:$0x2] =	stream.linear.gather @!p1 [hbm4b:s13+s16], $0x1F40, $0x38;
	[tilespmem:$0x7F80] =	vst v63  }
0x27: {  	p1 =	seq.s32 s11, $0x0  }
.Ltmp2:
0x28: {  	_ = 	snop;
	(pc) =	sbr.rel @p1 .LBB2_5-.Ltmp2, $1  }
0x29: {  	_ =	sdelay $0x3  }
0x2a: {  	s12 =	sand.u32 $0x1, s11  }
0x2b: {  	_ =	swait.ge [sflag:s6], $0x3E80;
	p1 =	seq.s32 s12, $0x1;
	s12 =	simm.s32 $0x1F40  }
0x2c: {  	[sflag:s6] =	ssyncset.done $0x0;
	s12 =	simm.s32 @!p1 $0x0  }
0x2d: {  	[sflag:s6] =	ssyncadd.s32 $0xFFFFC180;
	s14 =	sadd.s32 $0x280, s12  }
0x2e: {  	v0 =	vld.msk [tilespmem:s14+$0x0 ss:$0x1], $0xffff;
	_ =	sdelay $0x4  }
0x2f: {  	v0 =	vmin.u32 v0, $0x2800;
	_ =	sdelay $0x3  }
0x30: {  	s13 =	simm.s32 $0x0;
	s12 =	sadd.s32 $0x4100, s12;
	s14 =	sadd.s32 $0x10, s14  }
0x31: {  	[spmem:s9] =	stream.indirect_vreg.scatter.add.s32 [tilespmem:s12], [sflag:$0x1], $0x1, v0, vm0, $0x4038;
	[tilespmem:$0x7F80] =	vst v63  }
.LBB2_3:
0x32: {  	v0 =	vld.msk [tilespmem:s14+$0x0 ss:$0x1], $0xffff;
	s13 =	sadd.s32 $0x10, s13  }
0x33: {  	p1 =	slt.u32 s13, $0x1F30;
	_ =	sdelay $0x4  }
0x34: {  	v0 =	vmin.u32 v0, $0x2800  }
.Ltmp3:
0x35: {  	(pc) =	sbr.rel @p1 .LBB2_3-.Ltmp3, $3  }
0x36: {  	_ =	sdelay $0x1  }
0x37: {  	s14 =	sadd.s32 $0x10, s14;
	s12 =	sadd.s32 $0x10, s12  }
0x38: {  	[spmem:s9] =	stream.indirect_vreg.scatter.add.s32 [tilespmem:s12], [sflag:$0x1], $0x1, v0, vm0, $0x4038;
	[tilespmem:$0x7F80] =	vst v63  }
.Ltmp4:
0x39: {  	(pc) =	sbr.rel .LBB2_5-.Ltmp4, $4  }
0x3a: {  	_ = 	snop  }
0x3b: {  	_ =	swait.ge [sflag:s5], $0x1F40  }
0x3c: {  	[sflag:s5] =	ssyncset.done $0x0  }
0x3d: {  	[sflag:s5] =	ssyncadd.s32 $0xFFFFE0C0  }
.LBB2_6:
0x3e: {  	_ =	sfence.sel $0x180000  }
0x3f: {  	s2 =	simm.s32 $0x2;
	[bflag:$0x0] =	sbarrier.arrive $0xFFFF  }
0x40: {  	s30 =	simm.s32 $0x1;
	[sflag:s2] =	ssyncpa.u1 $0x1  }
0x41: {  	[sflag:s30] =	ssyncpa.u1 $0x1  }
0x42: {  	_ =	sfence.stream.spmem  }
0x43: {  	s31 =	simm.s32 $0x3D;
	[bflag:$0x0] =	sbarrier.arrive $0xFFFF  }
0x44: {  	s2 =	simm.s32 @p0 $0x3D;
	[sflag:s31] =	ssyncpa.u1 $0x0  }
0x45: {  	[sflag:s2] =	ssyncpa.u1 @p0 $0x1  }
0x46: {  	[bflag:$0x0] =	sbarrier.arrive @p0 $0xFFFF  }
0x47: {  	_ =	strace @p0 $0x90000047  }
0x48: {  	s3 =	simm.s32 @!p0 $0x1C3D;
	s2 =	simm.s32 @!p0 $0x0;
	[bflag:$0x2] =	sbarrier.arrive @p0 $0xFFFF  }
0x49: {  	[hbm:s1], [sflag:s3] =	dma.local @!p0 [spmem:s2], $0x500  }
0x4a: {  	s1 =	simm.s32 @!p0 $0x3D  }
0x4b: {  	_ =	swait.ge @!p0 [sflag:s1], $0x500  }
0x4c: {  	[sflag:s1] =	ssyncset.done @!p0 $0x0  }
0x4d: {  	[sflag:s1] =	ssyncadd.s32 @!p0 $0xFFFFFB00  }
0x4e: {  	[sflag:s1] =	ssyncpa.u1 @!p0 $0x1  }
0x4f: {  	[bflag:$0x0] =	sbarrier.arrive @!p0 $0xFFFF  }
0x50: {  	_ =	strace @!p0 $0x90000047  }
0x51: {  	s0 =	sadd.s32 @!p0 $0x100000, s0;
	[bflag:$0x2] =	sbarrier.arrive @!p0 $0xFFFF  }
0x52: {  	[sflag:s0] =	ssyncadd.tile.s32 @!p0 $0x1;
	_ =	shalt  }
.Lfunc_end2:
_tile_overlayer_lowered:
.L_overlay_start_2:
0x53: {  	(tag) =	ssettag $0x2  }
0x54: {  	s0 =	rddreg [dreg:$0x0];
	s2 =	stileid.u32  }
0x55: {  	s1 =	rddreg [dreg:$0x1];
	p0 =	sne.s32 s2, $0x0  }
0x56: {  	s3 =	rddreg [dreg:$0x2];
	[bflag:$0x3] =	sbarrier.arrive $0xFFFF;
	s2 =	simm.s32 @!p0 $0x1C01  }
0x57: {  	[timem:s3], [sflag:s2] =	dma.local @!p0 [hbm:s0], s1  }
0x58: {  	s0 =	simm.s32 @!p0 $0x1  }
0x59: {  	_ =	swait.ge @!p0 [sflag:s0], s1  }
0x5a: {  	s1 =	ssub.s32 @!p0 $0x0, s1;
	[sflag:s0] =	ssyncset.done @!p0 $0x0  }
0x5b: {  	[sflag:s0] =	ssyncadd.s32 @!p0 s1  }
0x5c: {  	[bflag:$0x3] =	sbarrier.arrive $0xFFFF  }
0x5d: {  	_ =	shalt  }

</sc_bundles>
